<compile_context>
chip_gen: v7x
topology: tpu7x:2x2x1
jax: 0.10.2.dev20260603
libtpu: 0.0.44.dev20260713+nightly
codegen_flags: <defaults>
</compile_context>

<pallas_src>
import jax
import jax.numpy as jnp
from jax import lax
from jax.experimental import pallas as pl
from jax.experimental.pallas import tpu as pltpu
from jax.experimental.pallas import tpu_sc as plsc

_B = 16384
_F = 26
_FIELD = 40000
_NT = 16
_NPAIR = _F // 2
_BPC = _B // 2
_L = 16
_BPT = _BPC // _NT
_NJV = _BPC // _L
_TW = 128
_RPP = 2 * _FIELD // _TW
_NPAD = 1040384


def _sc_body(x_hbm, table_hbm, bias_hbm, out_hbm,
             tblk, xab, partial, red, outv, biasv, shared, sem):
  nc = lax.axis_index("c")
  ns = lax.axis_index("s")
  cbase = nc * _BPC

  @pl.when(ns < _NPAIR)
  def gather_phase():
    fa = 2 * ns
    row_lo = ns * _RPP
    cps = [
        pltpu.async_copy(table_hbm.at[pl.ds(row_lo, _RPP), :], tblk, sem),
        pltpu.async_copy(
            x_hbm.at[pl.ds(fa * _B + cbase, _BPC)], xab.at[pl.ds(0, _BPC)],
            sem),
        pltpu.async_copy(
            x_hbm.at[pl.ds((fa + 1) * _B + cbase, _BPC)],
            xab.at[pl.ds(_BPC, _BPC)], sem),
    ]
    for cp in cps:
      cp.wait()

    def body(j, _):
      sl = pl.ds(j * _L, _L)
      ia = xab[pl.ds(j * _L, _L)]
      ib = xab[pl.ds(_BPC + j * _L, _L)] + _FIELD
      va = plsc.load_gather(tblk, [ia >> 7, ia & 127])
      vb = plsc.load_gather(tblk, [ib >> 7, ib & 127])
      partial[sl] = va + vb
      return 0

    lax.fori_loop(0, _NJV, body, 0)
    pltpu.sync_copy(partial, shared.at[pl.ds(ns * _BPC, _BPC)])

  plsc.subcore_barrier()

  pltpu.sync_copy(bias_hbm, biasv)
  cps = [
      pltpu.async_copy(
          shared.at[pl.ds(t * _BPC + ns * _BPT, _BPT)],
          red.at[pl.ds(t * _BPT, _BPT)],
          sem,
      )
      for t in range(_NPAIR)
  ]
  for cp in cps:
    cp.wait()
  bvec = biasv[pl.ds(0, _L)]

  def reduce(jv, _):
    sl = pl.ds(jv * _L, _L)
    j16 = jv * _L
    acc = bvec + red[pl.ds(j16, _L)]
    for t in range(1, _NPAIR):
      acc = acc + red[pl.ds(t * _BPT + j16, _L)]
    outv[sl] = acc
    return 0

  lax.fori_loop(0, _BPT // _L, reduce, 0)
  pltpu.sync_copy(outv, out_hbm.at[pl.ds(cbase + ns * _BPT, _BPT)])


@jax.jit
def kernel(x, table, bias):
  xt = x.astype(jnp.int32).T.reshape(-1)
  tpad = jnp.pad(table.astype(jnp.float32), ((0, _NPAD - _F * _FIELD), (0, 0)))
  t2 = tpad.reshape(-1).reshape(_NPAD // _TW, _TW)

  mesh = plsc.VectorSubcoreMesh(
      core_axis_name="c", subcore_axis_name="s", num_cores=2, num_subcores=16)
  out = pl.kernel(
      _sc_body,
      out_type=jax.ShapeDtypeStruct((_B,), jnp.float32),
      mesh=mesh,
      compiler_params=pltpu.CompilerParams(
          needs_layout_passes=False, use_tc_tiling_on_sc=False),
      scratch_types=[
          pltpu.VMEM((_RPP, _TW), jnp.float32),
          pltpu.VMEM((2 * _BPC,), jnp.int32),
          pltpu.VMEM((_BPC,), jnp.float32),
          pltpu.VMEM((_NPAIR * _BPT,), jnp.float32),
          pltpu.VMEM((_BPT,), jnp.float32),
          pltpu.VMEM((_L,), jnp.float32),
          pltpu.VMEM_SHARED((_NPAIR * _BPC,), jnp.float32),
          pltpu.SemaphoreType.DMA,
      ],
  )(xt, t2, jnp.broadcast_to(bias.astype(jnp.float32), (_L,)))
  return out.reshape(_B, 1)

# --- scband reference (transcript-rebuilt; emitter-appended) ---
"""Pipeline reference for scband-features-linear-33904471835618 (READ-ONLY COPY).

The authoritative reference and input builder live on the scoring server;
editing this copy changes nothing except your own understanding.
"""

import jax, jax.numpy as jnp
import numpy as np

FIELD_DIMS = [40000] * 26
OUTPUT_DIM = 1
NUM_EMB = int(np.sum(FIELD_DIMS))
OFFSETS = jnp.asarray(np.array((0, *np.cumsum(FIELD_DIMS)[:-1]), dtype=np.int64))


def setup_inputs(seed: int = 0) -> dict:
    key = jax.random.key(seed)
    k_x, k_w = jax.random.split(key)
    x = jax.random.randint(k_x, (16384, 26), 0, 40000, dtype=jnp.int64)
    table = jax.random.normal(k_w, (NUM_EMB, OUTPUT_DIM), dtype=jnp.float32) * 0.01
    bias = jnp.zeros((OUTPUT_DIM,), dtype=jnp.float32)
    return {"x": x, "table": table, "bias": bias}


def reference(x, table, bias):
    # x: int64[B, F]; add per-field offsets to index into the concatenated table
    idx = x + OFFSETS[None, :]
    emb = jnp.take(table, idx, axis=0)  # [B, F, output_dim]
    return jnp.sum(emb, axis=1) + bias  # [B, output_dim]

if __name__ == "__main__":
    import jax
    _d = setup_inputs()
    print(jax.jit(kernel)(*tuple(_d.values())))

</pallas_src>

<mosaic_0001>
#map = affine_map<(d0, d1) -> (0)>
#map1 = affine_map<(d0, d1) -> (0, 0)>
module attributes {stable_mosaic.version = 14 : i64} {
  func.func @_sc_body(%arg0: i32, %arg1: i32, %arg2: memref<425984xi32, #tpu.memory_space<hbm>>, %arg3: memref<8128x128xf32, #tpu.memory_space<hbm>>, %arg4: memref<16xf32, #tpu.memory_space<hbm>>, %arg5: memref<16384xf32, #tpu.memory_space<hbm>>, %arg6: memref<625x128xf32, #tpu.memory_space<vmem>>, %arg7: memref<16384xi32, #tpu.memory_space<vmem>>, %arg8: memref<8192xf32, #tpu.memory_space<vmem>>, %arg9: memref<6656xf32, #tpu.memory_space<vmem>>, %arg10: memref<512xf32, #tpu.memory_space<vmem>>, %arg11: memref<16xf32, #tpu.memory_space<vmem>>, %arg12: memref<106496xf32, #tpu.memory_space<vmem_shared>>, %arg13: memref<!tpu.dma_semaphore, #tpu.memory_space<semaphore_mem>>) attributes {dimension_semantics = [#tpu.dimension_semantics<core_parallel>, #tpu.dimension_semantics<subcore_parallel>], iteration_bounds = array<i64: 2, 16>, scalar_prefetch = 0 : i64, scratch_operands = 8 : i64, tpu.core_type = #tpu.core_type<sc_vector_subcore>, window_params = [{transform_indices = #map}, {transform_indices = #map1}, {transform_indices = #map}, {transform_indices = #map}]} {
    %mul3A = arith.constant 8192 : i32
    %mul3A_0 = arith.muli %arg0, %mul3A : i32
    %lt3A = arith.constant 13 : i32
    %lt3A_1 = arith.cmpi slt, %arg1, %lt3A : i32
    %convert_element_type3A = arith.extui %lt3A_1 : i1 to i32
    %cond3A = arith.constant 0 : i32
    %cond3A_2 = arith.cmpi ne, %convert_element_type3A, %cond3A : i32
    scf.if %cond3A_2 {
      %mul3A_218 = arith.constant 2 : i32
      %mul3A_219 = arith.muli %mul3A_218, %arg1 : i32
      %mul3A_220 = arith.constant 625 : i32
      %mul3A_221 = arith.muli %arg1, %mul3A_220 : i32
      %dma_start3A_222 = arith.constant 0 : i32
      %dma_start3A_223 = tpu.memref_slice %arg3[%mul3A_221, %dma_start3A_222] : memref<8128x128xf32, #tpu.memory_space<hbm>> -> memref<625x128xf32, #tpu.memory_space<hbm>>
      %dma_start3A_224 = arith.constant 0 : i32
      %dma_start3A_225 = tpu.memref_slice %arg3[%mul3A_221, %dma_start3A_224] : memref<8128x128xf32, #tpu.memory_space<hbm>> -> memref<625x128xf32, #tpu.memory_space<hbm>>
      tpu.enqueue_dma source(%dma_start3A_225 : memref<625x128xf32, #tpu.memory_space<hbm>>) target(%arg6 : memref<625x128xf32, #tpu.memory_space<vmem>>) target_semaphore(%arg13 : memref<!tpu.dma_semaphore, #tpu.memory_space<semaphore_mem>>)
      %mul3A_226 = arith.constant 16384 : i32
      %mul3A_227 = arith.muli %mul3A_219, %mul3A_226 : i32
      %add3A_228 = arith.addi %mul3A_227, %mul3A_0 : i32
      %dma_start3A_229 = arith.constant 0 : i32
      %dma_start3A_230 = tpu.memref_slice %arg7[%dma_start3A_229] : memref<16384xi32, #tpu.memory_space<vmem>> -> memref<8192xi32, #tpu.memory_space<vmem>>
      %dma_start3A_231 = tpu.memref_slice %arg2[%add3A_228] : memref<425984xi32, #tpu.memory_space<hbm>> -> memref<8192xi32, #tpu.memory_space<hbm>>
      %dma_start3A_232 = arith.constant 0 : i32
      %dma_start3A_233 = tpu.memref_slice %arg7[%dma_start3A_232] : memref<16384xi32, #tpu.memory_space<vmem>> -> memref<8192xi32, #tpu.memory_space<vmem>>
      %dma_start3A_234 = tpu.memref_slice %arg2[%add3A_228] : memref<425984xi32, #tpu.memory_space<hbm>> -> memref<8192xi32, #tpu.memory_space<hbm>>
      tpu.enqueue_dma source(%dma_start3A_234 : memref<8192xi32, #tpu.memory_space<hbm>>) target(%dma_start3A_233 : memref<8192xi32, #tpu.memory_space<vmem>>) target_semaphore(%arg13 : memref<!tpu.dma_semaphore, #tpu.memory_space<semaphore_mem>>)
      %add3A_235 = arith.constant 1 : i32
      %add3A_236 = arith.addi %mul3A_219, %add3A_235 : i32
      %mul3A_237 = arith.constant 16384 : i32
      %mul3A_238 = arith.muli %add3A_236, %mul3A_237 : i32
      %add3A_239 = arith.addi %mul3A_238, %mul3A_0 : i32
      %dma_start3A_240 = arith.constant 8192 : i32
      %dma_start3A_241 = tpu.memref_slice %arg7[%dma_start3A_240] : memref<16384xi32, #tpu.memory_space<vmem>> -> memref<8192xi32, #tpu.memory_space<vmem>>
      %dma_start3A_242 = tpu.memref_slice %arg2[%add3A_239] : memref<425984xi32, #tpu.memory_space<hbm>> -> memref<8192xi32, #tpu.memory_space<hbm>>
      %dma_start3A_243 = arith.constant 8192 : i32
      %dma_start3A_244 = tpu.memref_slice %arg7[%dma_start3A_243] : memref<16384xi32, #tpu.memory_space<vmem>> -> memref<8192xi32, #tpu.memory_space<vmem>>
      %dma_start3A_245 = tpu.memref_slice %arg2[%add3A_239] : memref<425984xi32, #tpu.memory_space<hbm>> -> memref<8192xi32, #tpu.memory_space<hbm>>
      tpu.enqueue_dma source(%dma_start3A_245 : memref<8192xi32, #tpu.memory_space<hbm>>) target(%dma_start3A_244 : memref<8192xi32, #tpu.memory_space<vmem>>) target_semaphore(%arg13 : memref<!tpu.dma_semaphore, #tpu.memory_space<semaphore_mem>>)
      %dma_wait3A_246 = arith.constant 0 : i32
      %dma_wait3A_247 = tpu.memref_slice %arg3[%mul3A_221, %dma_wait3A_246] : memref<8128x128xf32, #tpu.memory_space<hbm>> -> memref<625x128xf32, #tpu.memory_space<hbm>>
      %dma_wait3A_248 = arith.constant 0 : i32
      %dma_wait3A_249 = tpu.memref_slice %arg3[%mul3A_221, %dma_wait3A_248] : memref<8128x128xf32, #tpu.memory_space<hbm>> -> memref<625x128xf32, #tpu.memory_space<hbm>>
      tpu.wait_dma2 semaphore(%arg13 : memref<!tpu.dma_semaphore, #tpu.memory_space<semaphore_mem>>) src(%dma_wait3A_249 : memref<625x128xf32, #tpu.memory_space<hbm>>) dst(%arg6 : memref<625x128xf32, #tpu.memory_space<vmem>>)
      %dma_wait3A_250 = arith.constant 0 : i32
      %dma_wait3A_251 = tpu.memref_slice %arg7[%dma_wait3A_250] : memref<16384xi32, #tpu.memory_space<vmem>> -> memref<8192xi32, #tpu.memory_space<vmem>>
      %dma_wait3A_252 = tpu.memref_slice %arg2[%add3A_228] : memref<425984xi32, #tpu.memory_space<hbm>> -> memref<8192xi32, #tpu.memory_space<hbm>>
      %dma_wait3A_253 = arith.constant 0 : i32
      %dma_wait3A_254 = tpu.memref_slice %arg7[%dma_wait3A_253] : memref<16384xi32, #tpu.memory_space<vmem>> -> memref<8192xi32, #tpu.memory_space<vmem>>
      %dma_wait3A_255 = tpu.memref_slice %arg2[%add3A_228] : memref<425984xi32, #tpu.memory_space<hbm>> -> memref<8192xi32, #tpu.memory_space<hbm>>
      tpu.wait_dma2 semaphore(%arg13 : memref<!tpu.dma_semaphore, #tpu.memory_space<semaphore_mem>>) src(%dma_wait3A_255 : memref<8192xi32, #tpu.memory_space<hbm>>) dst(%dma_wait3A_254 : memref<8192xi32, #tpu.memory_space<vmem>>)
      %dma_wait3A_256 = arith.constant 8192 : i32
      %dma_wait3A_257 = tpu.memref_slice %arg7[%dma_wait3A_256] : memref<16384xi32, #tpu.memory_space<vmem>> -> memref<8192xi32, #tpu.memory_space<vmem>>
      %dma_wait3A_258 = tpu.memref_slice %arg2[%add3A_239] : memref<425984xi32, #tpu.memory_space<hbm>> -> memref<8192xi32, #tpu.memory_space<hbm>>
      %dma_wait3A_259 = arith.constant 8192 : i32
      %dma_wait3A_260 = tpu.memref_slice %arg7[%dma_wait3A_259] : memref<16384xi32, #tpu.memory_space<vmem>> -> memref<8192xi32, #tpu.memory_space<vmem>>
      %dma_wait3A_261 = tpu.memref_slice %arg2[%add3A_239] : memref<425984xi32, #tpu.memory_space<hbm>> -> memref<8192xi32, #tpu.memory_space<hbm>>
      tpu.wait_dma2 semaphore(%arg13 : memref<!tpu.dma_semaphore, #tpu.memory_space<semaphore_mem>>) src(%dma_wait3A_261 : memref<8192xi32, #tpu.memory_space<hbm>>) dst(%dma_wait3A_260 : memref<8192xi32, #tpu.memory_space<vmem>>)
      %scan3A_262 = arith.constant 0 : i32
      %scan3A_263 = arith.constant 0 : i32
      %scan3A_264 = arith.constant 512 : i32
      %scan3A_265 = arith.addi %scan3A_263, %scan3A_264 : i32
      %scan3A_266 = arith.constant 1 : i32
      %scan3A_267 = scf.for %scan3A_271 = %scan3A_263 to %scan3A_265 step %scan3A_266 iter_args(%scan3A_272 = %scan3A_262) -> (i32)  : i32 {
        %mul3A_273 = arith.constant 16 : i32
        %mul3A_274 = arith.muli %scan3A_271, %mul3A_273 : i32
        %mul3A_275 = arith.constant 16 : i32
        %mul3A_276 = arith.muli %scan3A_271, %mul3A_275 : i32
        %get3A_277 = arith.index_cast %mul3A_276 : i32 to index
        %get3A_278 = tpu.vector_load %arg7[%get3A_277] {strides = array<i32>} : memref<16384xi32, #tpu.memory_space<vmem>>, vector<16xi32>,
        %mul3A_279 = arith.constant 16 : i32
        %mul3A_280 = arith.muli %scan3A_271, %mul3A_279 : i32
        %add3A_281 = arith.constant 8192 : i32
        %add3A_282 = arith.addi %add3A_281, %mul3A_280 : i32
        %get3A_283 = arith.index_cast %add3A_282 : i32 to index
        %get3A_284 = tpu.vector_load %arg7[%get3A_283] {strides = array<i32>} : memref<16384xi32, #tpu.memory_space<vmem>>, vector<16xi32>,
        %add3A_285 = arith.constant 40000 : i32
        %add3A_286 = vector.broadcast %add3A_285 : i32 to vector<16xi32>
        %add3A_287 = arith.addi %get3A_284, %add3A_286 : vector<16xi32>
        %shift_right_arithmetic3A = arith.constant 7 : i32
        %shift_right_arithmetic3A_288 = vector.broadcast %shift_right_arithmetic3A : i32 to vector<16xi32>
        %shift_right_arithmetic3A_289 = arith.shrsi %get3A_278, %shift_right_arithmetic3A_288 : vector<16xi32>
        %and3A = arith.constant 127 : i32
        %and3A_290 = vector.broadcast %and3A : i32 to vector<16xi32>
        %and3A_291 = arith.andi %get3A_278, %and3A_290 : vector<16xi32>
        %gather3A = tpu.vector_load_idx %arg6[%shift_right_arithmetic3A_289, %and3A_291] : memref<625x128xf32, #tpu.memory_space<vmem>>[vector<16xi32>, vector<16xi32>], vector<16xf32>,
        %shift_right_arithmetic3A_292 = arith.constant 7 : i32
        %shift_right_arithmetic3A_293 = vector.broadcast %shift_right_arithmetic3A_292 : i32 to vector<16xi32>
        %shift_right_arithmetic3A_294 = arith.shrsi %add3A_287, %shift_right_arithmetic3A_293 : vector<16xi32>
        %and3A_295 = arith.constant 127 : i32
        %and3A_296 = vector.broadcast %and3A_295 : i32 to vector<16xi32>
        %and3A_297 = arith.andi %add3A_287, %and3A_296 : vector<16xi32>
        %gather3A_298 = tpu.vector_load_idx %arg6[%shift_right_arithmetic3A_294, %and3A_297] : memref<625x128xf32, #tpu.memory_space<vmem>>[vector<16xi32>, vector<16xi32>], vector<16xf32>,
        %add3A_299 = arith.addf %gather3A, %gather3A_298 : vector<16xf32>
        %swap3A = arith.index_cast %mul3A_274 : i32 to index
        %swap3A_300 = tpu.vector_load %arg8[%swap3A] {strides = array<i32>} : memref<8192xf32, #tpu.memory_space<vmem>>, vector<16xf32>,
        tpu.vector_store %arg8[%swap3A], %add3A_299 {strides = array<i32>} : memref<8192xf32, #tpu.memory_space<vmem>>, vector<16xf32>,
        %scan3A_301 = arith.constant 0 : i32
        scf.yield %scan3A_301 : i32
      }
      %scan3A_268 = arith.constant 512 : i32
      %mul3A_269 = arith.constant 8192 : i32
      %mul3A_270 = arith.muli %arg1, %mul3A_269 : i32
      "tpu.region"() ({
        %run_scoped3A = tpu.sem_alloc : memref<!tpu.dma_semaphore, #tpu.memory_space<semaphore_mem>>
        %dma_start3A_271 = tpu.memref_slice %arg12[%mul3A_270] : memref<106496xf32, #tpu.memory_space<vmem_shared>> -> memref<8192xf32, #tpu.memory_space<vmem_shared>>
        %dma_start3A_272 = tpu.memref_slice %arg12[%mul3A_270] : memref<106496xf32, #tpu.memory_space<vmem_shared>> -> memref<8192xf32, #tpu.memory_space<vmem_shared>>
        tpu.enqueue_dma source(%arg8 : memref<8192xf32, #tpu.memory_space<vmem>>) target(%dma_start3A_272 : memref<8192xf32, #tpu.memory_space<vmem_shared>>) target_semaphore(%run_scoped3A : memref<!tpu.dma_semaphore, #tpu.memory_space<semaphore_mem>>)
        %dma_wait3A_273 = tpu.memref_slice %arg12[%mul3A_270] : memref<106496xf32, #tpu.memory_space<vmem_shared>> -> memref<8192xf32, #tpu.memory_space<vmem_shared>>
        %dma_wait3A_274 = tpu.memref_slice %arg12[%mul3A_270] : memref<106496xf32, #tpu.memory_space<vmem_shared>> -> memref<8192xf32, #tpu.memory_space<vmem_shared>>
        tpu.wait_dma2 semaphore(%run_scoped3A : memref<!tpu.dma_semaphore, #tpu.memory_space<semaphore_mem>>) src(%arg8 : memref<8192xf32, #tpu.memory_space<vmem>>) dst(%dma_wait3A_274 : memref<8192xf32, #tpu.memory_space<vmem_shared>>)
        tpu.yield
      }) : () -> ()
    } else {
    }
    %barrier3A = arith.constant 0 : index
    tpu.barrier barrier_id(%barrier3A)
    "tpu.region"() ({
      %run_scoped3A = tpu.sem_alloc : memref<!tpu.dma_semaphore, #tpu.memory_space<semaphore_mem>>
      tpu.enqueue_dma source(%arg4 : memref<16xf32, #tpu.memory_space<hbm>>) target(%arg11 : memref<16xf32, #tpu.memory_space<vmem>>) target_semaphore(%run_scoped3A : memref<!tpu.dma_semaphore, #tpu.memory_space<semaphore_mem>>)
      tpu.wait_dma2 semaphore(%run_scoped3A : memref<!tpu.dma_semaphore, #tpu.memory_space<semaphore_mem>>) src(%arg4 : memref<16xf32, #tpu.memory_space<hbm>>) dst(%arg11 : memref<16xf32, #tpu.memory_space<vmem>>)
      tpu.yield
    }) : () -> ()
    %mul3A_3 = arith.constant 512 : i32
    %mul3A_4 = arith.muli %arg1, %mul3A_3 : i32
    %add3A = arith.constant 0 : i32
    %add3A_5 = arith.addi %add3A, %mul3A_4 : i32
    %dma_start3A = arith.constant 0 : i32
    %dma_start3A_6 = tpu.memref_slice %arg9[%dma_start3A] : memref<6656xf32, #tpu.memory_space<vmem>> -> memref<512xf32, #tpu.memory_space<vmem>>
    %dma_start3A_7 = tpu.memref_slice %arg12[%add3A_5] : memref<106496xf32, #tpu.memory_space<vmem_shared>> -> memref<512xf32, #tpu.memory_space<vmem_shared>>
    %dma_start3A_8 = arith.constant 0 : i32
    %dma_start3A_9 = tpu.memref_slice %arg9[%dma_start3A_8] : memref<6656xf32, #tpu.memory_space<vmem>> -> memref<512xf32, #tpu.memory_space<vmem>>
    %dma_start3A_10 = tpu.memref_slice %arg12[%add3A_5] : memref<106496xf32, #tpu.memory_space<vmem_shared>> -> memref<512xf32, #tpu.memory_space<vmem_shared>>
    tpu.enqueue_dma source(%dma_start3A_10 : memref<512xf32, #tpu.memory_space<vmem_shared>>) target(%dma_start3A_9 : memref<512xf32, #tpu.memory_space<vmem>>) target_semaphore(%arg13 : memref<!tpu.dma_semaphore, #tpu.memory_space<semaphore_mem>>)
    %mul3A_11 = arith.constant 512 : i32
    %mul3A_12 = arith.muli %arg1, %mul3A_11 : i32
    %add3A_13 = arith.constant 8192 : i32
    %add3A_14 = arith.addi %add3A_13, %mul3A_12 : i32
    %dma_start3A_15 = arith.constant 512 : i32
    %dma_start3A_16 = tpu.memref_slice %arg9[%dma_start3A_15] : memref<6656xf32, #tpu.memory_space<vmem>> -> memref<512xf32, #tpu.memory_space<vmem>>
    %dma_start3A_17 = tpu.memref_slice %arg12[%add3A_14] : memref<106496xf32, #tpu.memory_space<vmem_shared>> -> memref<512xf32, #tpu.memory_space<vmem_shared>>
    %dma_start3A_18 = arith.constant 512 : i32
    %dma_start3A_19 = tpu.memref_slice %arg9[%dma_start3A_18] : memref<6656xf32, #tpu.memory_space<vmem>> -> memref<512xf32, #tpu.memory_space<vmem>>
    %dma_start3A_20 = tpu.memref_slice %arg12[%add3A_14] : memref<106496xf32, #tpu.memory_space<vmem_shared>> -> memref<512xf32, #tpu.memory_space<vmem_shared>>
    tpu.enqueue_dma source(%dma_start3A_20 : memref<512xf32, #tpu.memory_space<vmem_shared>>) target(%dma_start3A_19 : memref<512xf32, #tpu.memory_space<vmem>>) target_semaphore(%arg13 : memref<!tpu.dma_semaphore, #tpu.memory_space<semaphore_mem>>)
    %mul3A_21 = arith.constant 512 : i32
    %mul3A_22 = arith.muli %arg1, %mul3A_21 : i32
    %add3A_23 = arith.constant 16384 : i32
    %add3A_24 = arith.addi %add3A_23, %mul3A_22 : i32
    %dma_start3A_25 = arith.constant 1024 : i32
    %dma_start3A_26 = tpu.memref_slice %arg9[%dma_start3A_25] : memref<6656xf32, #tpu.memory_space<vmem>> -> memref<512xf32, #tpu.memory_space<vmem>>
    %dma_start3A_27 = tpu.memref_slice %arg12[%add3A_24] : memref<106496xf32, #tpu.memory_space<vmem_shared>> -> memref<512xf32, #tpu.memory_space<vmem_shared>>
    %dma_start3A_28 = arith.constant 1024 : i32
    %dma_start3A_29 = tpu.memref_slice %arg9[%dma_start3A_28] : memref<6656xf32, #tpu.memory_space<vmem>> -> memref<512xf32, #tpu.memory_space<vmem>>
    %dma_start3A_30 = tpu.memref_slice %arg12[%add3A_24] : memref<106496xf32, #tpu.memory_space<vmem_shared>> -> memref<512xf32, #tpu.memory_space<vmem_shared>>
    tpu.enqueue_dma source(%dma_start3A_30 : memref<512xf32, #tpu.memory_space<vmem_shared>>) target(%dma_start3A_29 : memref<512xf32, #tpu.memory_space<vmem>>) target_semaphore(%arg13 : memref<!tpu.dma_semaphore, #tpu.memory_space<semaphore_mem>>)
    %mul3A_31 = arith.constant 512 : i32
    %mul3A_32 = arith.muli %arg1, %mul3A_31 : i32
    %add3A_33 = arith.constant 24576 : i32
    %add3A_34 = arith.addi %add3A_33, %mul3A_32 : i32
    %dma_start3A_35 = arith.constant 1536 : i32
    %dma_start3A_36 = tpu.memref_slice %arg9[%dma_start3A_35] : memref<6656xf32, #tpu.memory_space<vmem>> -> memref<512xf32, #tpu.memory_space<vmem>>
    %dma_start3A_37 = tpu.memref_slice %arg12[%add3A_34] : memref<106496xf32, #tpu.memory_space<vmem_shared>> -> memref<512xf32, #tpu.memory_space<vmem_shared>>
    %dma_start3A_38 = arith.constant 1536 : i32
    %dma_start3A_39 = tpu.memref_slice %arg9[%dma_start3A_38] : memref<6656xf32, #tpu.memory_space<vmem>> -> memref<512xf32, #tpu.memory_space<vmem>>
    %dma_start3A_40 = tpu.memref_slice %arg12[%add3A_34] : memref<106496xf32, #tpu.memory_space<vmem_shared>> -> memref<512xf32, #tpu.memory_space<vmem_shared>>
    tpu.enqueue_dma source(%dma_start3A_40 : memref<512xf32, #tpu.memory_space<vmem_shared>>) target(%dma_start3A_39 : memref<512xf32, #tpu.memory_space<vmem>>) target_semaphore(%arg13 : memref<!tpu.dma_semaphore, #tpu.memory_space<semaphore_mem>>)
    %mul3A_41 = arith.constant 512 : i32
    %mul3A_42 = arith.muli %arg1, %mul3A_41 : i32
    %add3A_43 = arith.constant 32768 : i32
    %add3A_44 = arith.addi %add3A_43, %mul3A_42 : i32
    %dma_start3A_45 = arith.constant 2048 : i32
    %dma_start3A_46 = tpu.memref_slice %arg9[%dma_start3A_45] : memref<6656xf32, #tpu.memory_space<vmem>> -> memref<512xf32, #tpu.memory_space<vmem>>
    %dma_start3A_47 = tpu.memref_slice %arg12[%add3A_44] : memref<106496xf32, #tpu.memory_space<vmem_shared>> -> memref<512xf32, #tpu.memory_space<vmem_shared>>
    %dma_start3A_48 = arith.constant 2048 : i32
    %dma_start3A_49 = tpu.memref_slice %arg9[%dma_start3A_48] : memref<6656xf32, #tpu.memory_space<vmem>> -> memref<512xf32, #tpu.memory_space<vmem>>
    %dma_start3A_50 = tpu.memref_slice %arg12[%add3A_44] : memref<106496xf32, #tpu.memory_space<vmem_shared>> -> memref<512xf32, #tpu.memory_space<vmem_shared>>
    tpu.enqueue_dma source(%dma_start3A_50 : memref<512xf32, #tpu.memory_space<vmem_shared>>) target(%dma_start3A_49 : memref<512xf32, #tpu.memory_space<vmem>>) target_semaphore(%arg13 : memref<!tpu.dma_semaphore, #tpu.memory_space<semaphore_mem>>)
    %mul3A_51 = arith.constant 512 : i32
    %mul3A_52 = arith.muli %arg1, %mul3A_51 : i32
    %add3A_53 = arith.constant 40960 : i32
    %add3A_54 = arith.addi %add3A_53, %mul3A_52 : i32
    %dma_start3A_55 = arith.constant 2560 : i32
    %dma_start3A_56 = tpu.memref_slice %arg9[%dma_start3A_55] : memref<6656xf32, #tpu.memory_space<vmem>> -> memref<512xf32, #tpu.memory_space<vmem>>
    %dma_start3A_57 = tpu.memref_slice %arg12[%add3A_54] : memref<106496xf32, #tpu.memory_space<vmem_shared>> -> memref<512xf32, #tpu.memory_space<vmem_shared>>
    %dma_start3A_58 = arith.constant 2560 : i32
    %dma_start3A_59 = tpu.memref_slice %arg9[%dma_start3A_58] : memref<6656xf32, #tpu.memory_space<vmem>> -> memref<512xf32, #tpu.memory_space<vmem>>
    %dma_start3A_60 = tpu.memref_slice %arg12[%add3A_54] : memref<106496xf32, #tpu.memory_space<vmem_shared>> -> memref<512xf32, #tpu.memory_space<vmem_shared>>
    tpu.enqueue_dma source(%dma_start3A_60 : memref<512xf32, #tpu.memory_space<vmem_shared>>) target(%dma_start3A_59 : memref<512xf32, #tpu.memory_space<vmem>>) target_semaphore(%arg13 : memref<!tpu.dma_semaphore, #tpu.memory_space<semaphore_mem>>)
    %mul3A_61 = arith.constant 512 : i32
    %mul3A_62 = arith.muli %arg1, %mul3A_61 : i32
    %add3A_63 = arith.constant 49152 : i32
    %add3A_64 = arith.addi %add3A_63, %mul3A_62 : i32
    %dma_start3A_65 = arith.constant 3072 : i32
    %dma_start3A_66 = tpu.memref_slice %arg9[%dma_start3A_65] : memref<6656xf32, #tpu.memory_space<vmem>> -> memref<512xf32, #tpu.memory_space<vmem>>
    %dma_start3A_67 = tpu.memref_slice %arg12[%add3A_64] : memref<106496xf32, #tpu.memory_space<vmem_shared>> -> memref<512xf32, #tpu.memory_space<vmem_shared>>
    %dma_start3A_68 = arith.constant 3072 : i32
    %dma_start3A_69 = tpu.memref_slice %arg9[%dma_start3A_68] : memref<6656xf32, #tpu.memory_space<vmem>> -> memref<512xf32, #tpu.memory_space<vmem>>
    %dma_start3A_70 = tpu.memref_slice %arg12[%add3A_64] : memref<106496xf32, #tpu.memory_space<vmem_shared>> -> memref<512xf32, #tpu.memory_space<vmem_shared>>
    tpu.enqueue_dma source(%dma_start3A_70 : memref<512xf32, #tpu.memory_space<vmem_shared>>) target(%dma_start3A_69 : memref<512xf32, #tpu.memory_space<vmem>>) target_semaphore(%arg13 : memref<!tpu.dma_semaphore, #tpu.memory_space<semaphore_mem>>)
    %mul3A_71 = arith.constant 512 : i32
    %mul3A_72 = arith.muli %arg1, %mul3A_71 : i32
    %add3A_73 = arith.constant 57344 : i32
    %add3A_74 = arith.addi %add3A_73, %mul3A_72 : i32
    %dma_start3A_75 = arith.constant 3584 : i32
    %dma_start3A_76 = tpu.memref_slice %arg9[%dma_start3A_75] : memref<6656xf32, #tpu.memory_space<vmem>> -> memref<512xf32, #tpu.memory_space<vmem>>
    %dma_start3A_77 = tpu.memref_slice %arg12[%add3A_74] : memref<106496xf32, #tpu.memory_space<vmem_shared>> -> memref<512xf32, #tpu.memory_space<vmem_shared>>
    %dma_start3A_78 = arith.constant 3584 : i32
    %dma_start3A_79 = tpu.memref_slice %arg9[%dma_start3A_78] : memref<6656xf32, #tpu.memory_space<vmem>> -> memref<512xf32, #tpu.memory_space<vmem>>
    %dma_start3A_80 = tpu.memref_slice %arg12[%add3A_74] : memref<106496xf32, #tpu.memory_space<vmem_shared>> -> memref<512xf32, #tpu.memory_space<vmem_shared>>
    tpu.enqueue_dma source(%dma_start3A_80 : memref<512xf32, #tpu.memory_space<vmem_shared>>) target(%dma_start3A_79 : memref<512xf32, #tpu.memory_space<vmem>>) target_semaphore(%arg13 : memref<!tpu.dma_semaphore, #tpu.memory_space<semaphore_mem>>)
    %mul3A_81 = arith.constant 512 : i32
    %mul3A_82 = arith.muli %arg1, %mul3A_81 : i32
    %add3A_83 = arith.constant 65536 : i32
    %add3A_84 = arith.addi %add3A_83, %mul3A_82 : i32
    %dma_start3A_85 = arith.constant 4096 : i32
    %dma_start3A_86 = tpu.memref_slice %arg9[%dma_start3A_85] : memref<6656xf32, #tpu.memory_space<vmem>> -> memref<512xf32, #tpu.memory_space<vmem>>
    %dma_start3A_87 = tpu.memref_slice %arg12[%add3A_84] : memref<106496xf32, #tpu.memory_space<vmem_shared>> -> memref<512xf32, #tpu.memory_space<vmem_shared>>
    %dma_start3A_88 = arith.constant 4096 : i32
    %dma_start3A_89 = tpu.memref_slice %arg9[%dma_start3A_88] : memref<6656xf32, #tpu.memory_space<vmem>> -> memref<512xf32, #tpu.memory_space<vmem>>
    %dma_start3A_90 = tpu.memref_slice %arg12[%add3A_84] : memref<106496xf32, #tpu.memory_space<vmem_shared>> -> memref<512xf32, #tpu.memory_space<vmem_shared>>
    tpu.enqueue_dma source(%dma_start3A_90 : memref<512xf32, #tpu.memory_space<vmem_shared>>) target(%dma_start3A_89 : memref<512xf32, #tpu.memory_space<vmem>>) target_semaphore(%arg13 : memref<!tpu.dma_semaphore, #tpu.memory_space<semaphore_mem>>)
    %mul3A_91 = arith.constant 512 : i32
    %mul3A_92 = arith.muli %arg1, %mul3A_91 : i32
    %add3A_93 = arith.constant 73728 : i32
    %add3A_94 = arith.addi %add3A_93, %mul3A_92 : i32
    %dma_start3A_95 = arith.constant 4608 : i32
    %dma_start3A_96 = tpu.memref_slice %arg9[%dma_start3A_95] : memref<6656xf32, #tpu.memory_space<vmem>> -> memref<512xf32, #tpu.memory_space<vmem>>
    %dma_start3A_97 = tpu.memref_slice %arg12[%add3A_94] : memref<106496xf32, #tpu.memory_space<vmem_shared>> -> memref<512xf32, #tpu.memory_space<vmem_shared>>
    %dma_start3A_98 = arith.constant 4608 : i32
    %dma_start3A_99 = tpu.memref_slice %arg9[%dma_start3A_98] : memref<6656xf32, #tpu.memory_space<vmem>> -> memref<512xf32, #tpu.memory_space<vmem>>
    %dma_start3A_100 = tpu.memref_slice %arg12[%add3A_94] : memref<106496xf32, #tpu.memory_space<vmem_shared>> -> memref<512xf32, #tpu.memory_space<vmem_shared>>
    tpu.enqueue_dma source(%dma_start3A_100 : memref<512xf32, #tpu.memory_space<vmem_shared>>) target(%dma_start3A_99 : memref<512xf32, #tpu.memory_space<vmem>>) target_semaphore(%arg13 : memref<!tpu.dma_semaphore, #tpu.memory_space<semaphore_mem>>)
    %mul3A_101 = arith.constant 512 : i32
    %mul3A_102 = arith.muli %arg1, %mul3A_101 : i32
    %add3A_103 = arith.constant 81920 : i32
    %add3A_104 = arith.addi %add3A_103, %mul3A_102 : i32
    %dma_start3A_105 = arith.constant 5120 : i32
    %dma_start3A_106 = tpu.memref_slice %arg9[%dma_start3A_105] : memref<6656xf32, #tpu.memory_space<vmem>> -> memref<512xf32, #tpu.memory_space<vmem>>
    %dma_start3A_107 = tpu.memref_slice %arg12[%add3A_104] : memref<106496xf32, #tpu.memory_space<vmem_shared>> -> memref<512xf32, #tpu.memory_space<vmem_shared>>
    %dma_start3A_108 = arith.constant 5120 : i32
    %dma_start3A_109 = tpu.memref_slice %arg9[%dma_start3A_108] : memref<6656xf32, #tpu.memory_space<vmem>> -> memref<512xf32, #tpu.memory_space<vmem>>
    %dma_start3A_110 = tpu.memref_slice %arg12[%add3A_104] : memref<106496xf32, #tpu.memory_space<vmem_shared>> -> memref<512xf32, #tpu.memory_space<vmem_shared>>
    tpu.enqueue_dma source(%dma_start3A_110 : memref<512xf32, #tpu.memory_space<vmem_shared>>) target(%dma_start3A_109 : memref<512xf32, #tpu.memory_space<vmem>>) target_semaphore(%arg13 : memref<!tpu.dma_semaphore, #tpu.memory_space<semaphore_mem>>)
    %mul3A_111 = arith.constant 512 : i32
    %mul3A_112 = arith.muli %arg1, %mul3A_111 : i32
    %add3A_113 = arith.constant 90112 : i32
    %add3A_114 = arith.addi %add3A_113, %mul3A_112 : i32
    %dma_start3A_115 = arith.constant 5632 : i32
    %dma_start3A_116 = tpu.memref_slice %arg9[%dma_start3A_115] : memref<6656xf32, #tpu.memory_space<vmem>> -> memref<512xf32, #tpu.memory_space<vmem>>
    %dma_start3A_117 = tpu.memref_slice %arg12[%add3A_114] : memref<106496xf32, #tpu.memory_space<vmem_shared>> -> memref<512xf32, #tpu.memory_space<vmem_shared>>
    %dma_start3A_118 = arith.constant 5632 : i32
    %dma_start3A_119 = tpu.memref_slice %arg9[%dma_start3A_118] : memref<6656xf32, #tpu.memory_space<vmem>> -> memref<512xf32, #tpu.memory_space<vmem>>
    %dma_start3A_120 = tpu.memref_slice %arg12[%add3A_114] : memref<106496xf32, #tpu.memory_space<vmem_shared>> -> memref<512xf32, #tpu.memory_space<vmem_shared>>
    tpu.enqueue_dma source(%dma_start3A_120 : memref<512xf32, #tpu.memory_space<vmem_shared>>) target(%dma_start3A_119 : memref<512xf32, #tpu.memory_space<vmem>>) target_semaphore(%arg13 : memref<!tpu.dma_semaphore, #tpu.memory_space<semaphore_mem>>)
    %mul3A_121 = arith.constant 512 : i32
    %mul3A_122 = arith.muli %arg1, %mul3A_121 : i32
    %add3A_123 = arith.constant 98304 : i32
    %add3A_124 = arith.addi %add3A_123, %mul3A_122 : i32
    %dma_start3A_125 = arith.constant 6144 : i32
    %dma_start3A_126 = tpu.memref_slice %arg9[%dma_start3A_125] : memref<6656xf32, #tpu.memory_space<vmem>> -> memref<512xf32, #tpu.memory_space<vmem>>
    %dma_start3A_127 = tpu.memref_slice %arg12[%add3A_124] : memref<106496xf32, #tpu.memory_space<vmem_shared>> -> memref<512xf32, #tpu.memory_space<vmem_shared>>
    %dma_start3A_128 = arith.constant 6144 : i32
    %dma_start3A_129 = tpu.memref_slice %arg9[%dma_start3A_128] : memref<6656xf32, #tpu.memory_space<vmem>> -> memref<512xf32, #tpu.memory_space<vmem>>
    %dma_start3A_130 = tpu.memref_slice %arg12[%add3A_124] : memref<106496xf32, #tpu.memory_space<vmem_shared>> -> memref<512xf32, #tpu.memory_space<vmem_shared>>
    tpu.enqueue_dma source(%dma_start3A_130 : memref<512xf32, #tpu.memory_space<vmem_shared>>) target(%dma_start3A_129 : memref<512xf32, #tpu.memory_space<vmem>>) target_semaphore(%arg13 : memref<!tpu.dma_semaphore, #tpu.memory_space<semaphore_mem>>)
    %dma_wait3A = arith.constant 0 : i32
    %dma_wait3A_131 = tpu.memref_slice %arg9[%dma_wait3A] : memref<6656xf32, #tpu.memory_space<vmem>> -> memref<512xf32, #tpu.memory_space<vmem>>
    %dma_wait3A_132 = tpu.memref_slice %arg12[%add3A_5] : memref<106496xf32, #tpu.memory_space<vmem_shared>> -> memref<512xf32, #tpu.memory_space<vmem_shared>>
    %dma_wait3A_133 = arith.constant 0 : i32
    %dma_wait3A_134 = tpu.memref_slice %arg9[%dma_wait3A_133] : memref<6656xf32, #tpu.memory_space<vmem>> -> memref<512xf32, #tpu.memory_space<vmem>>
    %dma_wait3A_135 = tpu.memref_slice %arg12[%add3A_5] : memref<106496xf32, #tpu.memory_space<vmem_shared>> -> memref<512xf32, #tpu.memory_space<vmem_shared>>
    tpu.wait_dma2 semaphore(%arg13 : memref<!tpu.dma_semaphore, #tpu.memory_space<semaphore_mem>>) src(%dma_wait3A_135 : memref<512xf32, #tpu.memory_space<vmem_shared>>) dst(%dma_wait3A_134 : memref<512xf32, #tpu.memory_space<vmem>>)
    %dma_wait3A_136 = arith.constant 512 : i32
    %dma_wait3A_137 = tpu.memref_slice %arg9[%dma_wait3A_136] : memref<6656xf32, #tpu.memory_space<vmem>> -> memref<512xf32, #tpu.memory_space<vmem>>
    %dma_wait3A_138 = tpu.memref_slice %arg12[%add3A_14] : memref<106496xf32, #tpu.memory_space<vmem_shared>> -> memref<512xf32, #tpu.memory_space<vmem_shared>>
    %dma_wait3A_139 = arith.constant 512 : i32
    %dma_wait3A_140 = tpu.memref_slice %arg9[%dma_wait3A_139] : memref<6656xf32, #tpu.memory_space<vmem>> -> memref<512xf32, #tpu.memory_space<vmem>>
    %dma_wait3A_141 = tpu.memref_slice %arg12[%add3A_14] : memref<106496xf32, #tpu.memory_space<vmem_shared>> -> memref<512xf32, #tpu.memory_space<vmem_shared>>
    tpu.wait_dma2 semaphore(%arg13 : memref<!tpu.dma_semaphore, #tpu.memory_space<semaphore_mem>>) src(%dma_wait3A_141 : memref<512xf32, #tpu.memory_space<vmem_shared>>) dst(%dma_wait3A_140 : memref<512xf32, #tpu.memory_space<vmem>>)
    %dma_wait3A_142 = arith.constant 1024 : i32
    %dma_wait3A_143 = tpu.memref_slice %arg9[%dma_wait3A_142] : memref<6656xf32, #tpu.memory_space<vmem>> -> memref<512xf32, #tpu.memory_space<vmem>>
    %dma_wait3A_144 = tpu.memref_slice %arg12[%add3A_24] : memref<106496xf32, #tpu.memory_space<vmem_shared>> -> memref<512xf32, #tpu.memory_space<vmem_shared>>
    %dma_wait3A_145 = arith.constant 1024 : i32
    %dma_wait3A_146 = tpu.memref_slice %arg9[%dma_wait3A_145] : memref<6656xf32, #tpu.memory_space<vmem>> -> memref<512xf32, #tpu.memory_space<vmem>>
    %dma_wait3A_147 = tpu.memref_slice %arg12[%add3A_24] : memref<106496xf32, #tpu.memory_space<vmem_shared>> -> memref<512xf32, #tpu.memory_space<vmem_shared>>
    tpu.wait_dma2 semaphore(%arg13 : memref<!tpu.dma_semaphore, #tpu.memory_space<semaphore_mem>>) src(%dma_wait3A_147 : memref<512xf32, #tpu.memory_space<vmem_shared>>) dst(%dma_wait3A_146 : memref<512xf32, #tpu.memory_space<vmem>>)
    %dma_wait3A_148 = arith.constant 1536 : i32
    %dma_wait3A_149 = tpu.memref_slice %arg9[%dma_wait3A_148] : memref<6656xf32, #tpu.memory_space<vmem>> -> memref<512xf32, #tpu.memory_space<vmem>>
    %dma_wait3A_150 = tpu.memref_slice %arg12[%add3A_34] : memref<106496xf32, #tpu.memory_space<vmem_shared>> -> memref<512xf32, #tpu.memory_space<vmem_shared>>
    %dma_wait3A_151 = arith.constant 1536 : i32
    %dma_wait3A_152 = tpu.memref_slice %arg9[%dma_wait3A_151] : memref<6656xf32, #tpu.memory_space<vmem>> -> memref<512xf32, #tpu.memory_space<vmem>>
    %dma_wait3A_153 = tpu.memref_slice %arg12[%add3A_34] : memref<106496xf32, #tpu.memory_space<vmem_shared>> -> memref<512xf32, #tpu.memory_space<vmem_shared>>
    tpu.wait_dma2 semaphore(%arg13 : memref<!tpu.dma_semaphore, #tpu.memory_space<semaphore_mem>>) src(%dma_wait3A_153 : memref<512xf32, #tpu.memory_space<vmem_shared>>) dst(%dma_wait3A_152 : memref<512xf32, #tpu.memory_space<vmem>>)
    %dma_wait3A_154 = arith.constant 2048 : i32
    %dma_wait3A_155 = tpu.memref_slice %arg9[%dma_wait3A_154] : memref<6656xf32, #tpu.memory_space<vmem>> -> memref<512xf32, #tpu.memory_space<vmem>>
    %dma_wait3A_156 = tpu.memref_slice %arg12[%add3A_44] : memref<106496xf32, #tpu.memory_space<vmem_shared>> -> memref<512xf32, #tpu.memory_space<vmem_shared>>
    %dma_wait3A_157 = arith.constant 2048 : i32
    %dma_wait3A_158 = tpu.memref_slice %arg9[%dma_wait3A_157] : memref<6656xf32, #tpu.memory_space<vmem>> -> memref<512xf32, #tpu.memory_space<vmem>>
    %dma_wait3A_159 = tpu.memref_slice %arg12[%add3A_44] : memref<106496xf32, #tpu.memory_space<vmem_shared>> -> memref<512xf32, #tpu.memory_space<vmem_shared>>
    tpu.wait_dma2 semaphore(%arg13 : memref<!tpu.dma_semaphore, #tpu.memory_space<semaphore_mem>>) src(%dma_wait3A_159 : memref<512xf32, #tpu.memory_space<vmem_shared>>) dst(%dma_wait3A_158 : memref<512xf32, #tpu.memory_space<vmem>>)
    %dma_wait3A_160 = arith.constant 2560 : i32
    %dma_wait3A_161 = tpu.memref_slice %arg9[%dma_wait3A_160] : memref<6656xf32, #tpu.memory_space<vmem>> -> memref<512xf32, #tpu.memory_space<vmem>>
    %dma_wait3A_162 = tpu.memref_slice %arg12[%add3A_54] : memref<106496xf32, #tpu.memory_space<vmem_shared>> -> memref<512xf32, #tpu.memory_space<vmem_shared>>
    %dma_wait3A_163 = arith.constant 2560 : i32
    %dma_wait3A_164 = tpu.memref_slice %arg9[%dma_wait3A_163] : memref<6656xf32, #tpu.memory_space<vmem>> -> memref<512xf32, #tpu.memory_space<vmem>>
    %dma_wait3A_165 = tpu.memref_slice %arg12[%add3A_54] : memref<106496xf32, #tpu.memory_space<vmem_shared>> -> memref<512xf32, #tpu.memory_space<vmem_shared>>
    tpu.wait_dma2 semaphore(%arg13 : memref<!tpu.dma_semaphore, #tpu.memory_space<semaphore_mem>>) src(%dma_wait3A_165 : memref<512xf32, #tpu.memory_space<vmem_shared>>) dst(%dma_wait3A_164 : memref<512xf32, #tpu.memory_space<vmem>>)
    %dma_wait3A_166 = arith.constant 3072 : i32
    %dma_wait3A_167 = tpu.memref_slice %arg9[%dma_wait3A_166] : memref<6656xf32, #tpu.memory_space<vmem>> -> memref<512xf32, #tpu.memory_space<vmem>>
    %dma_wait3A_168 = tpu.memref_slice %arg12[%add3A_64] : memref<106496xf32, #tpu.memory_space<vmem_shared>> -> memref<512xf32, #tpu.memory_space<vmem_shared>>
    %dma_wait3A_169 = arith.constant 3072 : i32
    %dma_wait3A_170 = tpu.memref_slice %arg9[%dma_wait3A_169] : memref<6656xf32, #tpu.memory_space<vmem>> -> memref<512xf32, #tpu.memory_space<vmem>>
    %dma_wait3A_171 = tpu.memref_slice %arg12[%add3A_64] : memref<106496xf32, #tpu.memory_space<vmem_shared>> -> memref<512xf32, #tpu.memory_space<vmem_shared>>
    tpu.wait_dma2 semaphore(%arg13 : memref<!tpu.dma_semaphore, #tpu.memory_space<semaphore_mem>>) src(%dma_wait3A_171 : memref<512xf32, #tpu.memory_space<vmem_shared>>) dst(%dma_wait3A_170 : memref<512xf32, #tpu.memory_space<vmem>>)
    %dma_wait3A_172 = arith.constant 3584 : i32
    %dma_wait3A_173 = tpu.memref_slice %arg9[%dma_wait3A_172] : memref<6656xf32, #tpu.memory_space<vmem>> -> memref<512xf32, #tpu.memory_space<vmem>>
    %dma_wait3A_174 = tpu.memref_slice %arg12[%add3A_74] : memref<106496xf32, #tpu.memory_space<vmem_shared>> -> memref<512xf32, #tpu.memory_space<vmem_shared>>
    %dma_wait3A_175 = arith.constant 3584 : i32
    %dma_wait3A_176 = tpu.memref_slice %arg9[%dma_wait3A_175] : memref<6656xf32, #tpu.memory_space<vmem>> -> memref<512xf32, #tpu.memory_space<vmem>>
    %dma_wait3A_177 = tpu.memref_slice %arg12[%add3A_74] : memref<106496xf32, #tpu.memory_space<vmem_shared>> -> memref<512xf32, #tpu.memory_space<vmem_shared>>
    tpu.wait_dma2 semaphore(%arg13 : memref<!tpu.dma_semaphore, #tpu.memory_space<semaphore_mem>>) src(%dma_wait3A_177 : memref<512xf32, #tpu.memory_space<vmem_shared>>) dst(%dma_wait3A_176 : memref<512xf32, #tpu.memory_space<vmem>>)
    %dma_wait3A_178 = arith.constant 4096 : i32
    %dma_wait3A_179 = tpu.memref_slice %arg9[%dma_wait3A_178] : memref<6656xf32, #tpu.memory_space<vmem>> -> memref<512xf32, #tpu.memory_space<vmem>>
    %dma_wait3A_180 = tpu.memref_slice %arg12[%add3A_84] : memref<106496xf32, #tpu.memory_space<vmem_shared>> -> memref<512xf32, #tpu.memory_space<vmem_shared>>
    %dma_wait3A_181 = arith.constant 4096 : i32
    %dma_wait3A_182 = tpu.memref_slice %arg9[%dma_wait3A_181] : memref<6656xf32, #tpu.memory_space<vmem>> -> memref<512xf32, #tpu.memory_space<vmem>>
    %dma_wait3A_183 = tpu.memref_slice %arg12[%add3A_84] : memref<106496xf32, #tpu.memory_space<vmem_shared>> -> memref<512xf32, #tpu.memory_space<vmem_shared>>
    tpu.wait_dma2 semaphore(%arg13 : memref<!tpu.dma_semaphore, #tpu.memory_space<semaphore_mem>>) src(%dma_wait3A_183 : memref<512xf32, #tpu.memory_space<vmem_shared>>) dst(%dma_wait3A_182 : memref<512xf32, #tpu.memory_space<vmem>>)
    %dma_wait3A_184 = arith.constant 4608 : i32
    %dma_wait3A_185 = tpu.memref_slice %arg9[%dma_wait3A_184] : memref<6656xf32, #tpu.memory_space<vmem>> -> memref<512xf32, #tpu.memory_space<vmem>>
    %dma_wait3A_186 = tpu.memref_slice %arg12[%add3A_94] : memref<106496xf32, #tpu.memory_space<vmem_shared>> -> memref<512xf32, #tpu.memory_space<vmem_shared>>
    %dma_wait3A_187 = arith.constant 4608 : i32
    %dma_wait3A_188 = tpu.memref_slice %arg9[%dma_wait3A_187] : memref<6656xf32, #tpu.memory_space<vmem>> -> memref<512xf32, #tpu.memory_space<vmem>>
    %dma_wait3A_189 = tpu.memref_slice %arg12[%add3A_94] : memref<106496xf32, #tpu.memory_space<vmem_shared>> -> memref<512xf32, #tpu.memory_space<vmem_shared>>
    tpu.wait_dma2 semaphore(%arg13 : memref<!tpu.dma_semaphore, #tpu.memory_space<semaphore_mem>>) src(%dma_wait3A_189 : memref<512xf32, #tpu.memory_space<vmem_shared>>) dst(%dma_wait3A_188 : memref<512xf32, #tpu.memory_space<vmem>>)
    %dma_wait3A_190 = arith.constant 5120 : i32
    %dma_wait3A_191 = tpu.memref_slice %arg9[%dma_wait3A_190] : memref<6656xf32, #tpu.memory_space<vmem>> -> memref<512xf32, #tpu.memory_space<vmem>>
    %dma_wait3A_192 = tpu.memref_slice %arg12[%add3A_104] : memref<106496xf32, #tpu.memory_space<vmem_shared>> -> memref<512xf32, #tpu.memory_space<vmem_shared>>
    %dma_wait3A_193 = arith.constant 5120 : i32
    %dma_wait3A_194 = tpu.memref_slice %arg9[%dma_wait3A_193] : memref<6656xf32, #tpu.memory_space<vmem>> -> memref<512xf32, #tpu.memory_space<vmem>>
    %dma_wait3A_195 = tpu.memref_slice %arg12[%add3A_104] : memref<106496xf32, #tpu.memory_space<vmem_shared>> -> memref<512xf32, #tpu.memory_space<vmem_shared>>
    tpu.wait_dma2 semaphore(%arg13 : memref<!tpu.dma_semaphore, #tpu.memory_space<semaphore_mem>>) src(%dma_wait3A_195 : memref<512xf32, #tpu.memory_space<vmem_shared>>) dst(%dma_wait3A_194 : memref<512xf32, #tpu.memory_space<vmem>>)
    %dma_wait3A_196 = arith.constant 5632 : i32
    %dma_wait3A_197 = tpu.memref_slice %arg9[%dma_wait3A_196] : memref<6656xf32, #tpu.memory_space<vmem>> -> memref<512xf32, #tpu.memory_space<vmem>>
    %dma_wait3A_198 = tpu.memref_slice %arg12[%add3A_114] : memref<106496xf32, #tpu.memory_space<vmem_shared>> -> memref<512xf32, #tpu.memory_space<vmem_shared>>
    %dma_wait3A_199 = arith.constant 5632 : i32
    %dma_wait3A_200 = tpu.memref_slice %arg9[%dma_wait3A_199] : memref<6656xf32, #tpu.memory_space<vmem>> -> memref<512xf32, #tpu.memory_space<vmem>>
    %dma_wait3A_201 = tpu.memref_slice %arg12[%add3A_114] : memref<106496xf32, #tpu.memory_space<vmem_shared>> -> memref<512xf32, #tpu.memory_space<vmem_shared>>
    tpu.wait_dma2 semaphore(%arg13 : memref<!tpu.dma_semaphore, #tpu.memory_space<semaphore_mem>>) src(%dma_wait3A_201 : memref<512xf32, #tpu.memory_space<vmem_shared>>) dst(%dma_wait3A_200 : memref<512xf32, #tpu.memory_space<vmem>>)
    %dma_wait3A_202 = arith.constant 6144 : i32
    %dma_wait3A_203 = tpu.memref_slice %arg9[%dma_wait3A_202] : memref<6656xf32, #tpu.memory_space<vmem>> -> memref<512xf32, #tpu.memory_space<vmem>>
    %dma_wait3A_204 = tpu.memref_slice %arg12[%add3A_124] : memref<106496xf32, #tpu.memory_space<vmem_shared>> -> memref<512xf32, #tpu.memory_space<vmem_shared>>
    %dma_wait3A_205 = arith.constant 6144 : i32
    %dma_wait3A_206 = tpu.memref_slice %arg9[%dma_wait3A_205] : memref<6656xf32, #tpu.memory_space<vmem>> -> memref<512xf32, #tpu.memory_space<vmem>>
    %dma_wait3A_207 = tpu.memref_slice %arg12[%add3A_124] : memref<106496xf32, #tpu.memory_space<vmem_shared>> -> memref<512xf32, #tpu.memory_space<vmem_shared>>
    tpu.wait_dma2 semaphore(%arg13 : memref<!tpu.dma_semaphore, #tpu.memory_space<semaphore_mem>>) src(%dma_wait3A_207 : memref<512xf32, #tpu.memory_space<vmem_shared>>) dst(%dma_wait3A_206 : memref<512xf32, #tpu.memory_space<vmem>>)
    %get3A = arith.constant 0 : index
    %get3A_208 = tpu.vector_load %arg11[%get3A] {strides = array<i32>} : memref<16xf32, #tpu.memory_space<vmem>>, vector<16xf32>,
    %scan3A = arith.constant 0 : i32
    %scan3A_209 = arith.constant 0 : i32
    %scan3A_210 = arith.constant 32 : i32
    %scan3A_211 = arith.addi %scan3A_209, %scan3A_210 : i32
    %scan3A_212 = arith.constant 1 : i32
    %scan3A_213 = scf.for %scan3A_218 = %scan3A_209 to %scan3A_211 step %scan3A_212 iter_args(%scan3A_219 = %scan3A) -> (i32)  : i32 {
      %mul3A_220 = arith.constant 16 : i32
      %mul3A_221 = arith.muli %scan3A_218, %mul3A_220 : i32
      %mul3A_222 = arith.constant 16 : i32
      %mul3A_223 = arith.muli %scan3A_218, %mul3A_222 : i32
      %get3A_224 = arith.index_cast %mul3A_223 : i32 to index
      %get3A_225 = tpu.vector_load %arg9[%get3A_224] {strides = array<i32>} : memref<6656xf32, #tpu.memory_space<vmem>>, vector<16xf32>,
      %add3A_226 = arith.addf %get3A_208, %get3A_225 : vector<16xf32>
      %add3A_227 = arith.constant 512 : i32
      %add3A_228 = arith.addi %add3A_227, %mul3A_223 : i32
      %get3A_229 = arith.index_cast %add3A_228 : i32 to index
      %get3A_230 = tpu.vector_load %arg9[%get3A_229] {strides = array<i32>} : memref<6656xf32, #tpu.memory_space<vmem>>, vector<16xf32>,
      %add3A_231 = arith.addf %add3A_226, %get3A_230 : vector<16xf32>
      %add3A_232 = arith.constant 1024 : i32
      %add3A_233 = arith.addi %add3A_232, %mul3A_223 : i32
      %get3A_234 = arith.index_cast %add3A_233 : i32 to index
      %get3A_235 = tpu.vector_load %arg9[%get3A_234] {strides = array<i32>} : memref<6656xf32, #tpu.memory_space<vmem>>, vector<16xf32>,
      %add3A_236 = arith.addf %add3A_231, %get3A_235 : vector<16xf32>
      %add3A_237 = arith.constant 1536 : i32
      %add3A_238 = arith.addi %add3A_237, %mul3A_223 : i32
      %get3A_239 = arith.index_cast %add3A_238 : i32 to index
      %get3A_240 = tpu.vector_load %arg9[%get3A_239] {strides = array<i32>} : memref<6656xf32, #tpu.memory_space<vmem>>, vector<16xf32>,
      %add3A_241 = arith.addf %add3A_236, %get3A_240 : vector<16xf32>
      %add3A_242 = arith.constant 2048 : i32
      %add3A_243 = arith.addi %add3A_242, %mul3A_223 : i32
      %get3A_244 = arith.index_cast %add3A_243 : i32 to index
      %get3A_245 = tpu.vector_load %arg9[%get3A_244] {strides = array<i32>} : memref<6656xf32, #tpu.memory_space<vmem>>, vector<16xf32>,
      %add3A_246 = arith.addf %add3A_241, %get3A_245 : vector<16xf32>
      %add3A_247 = arith.constant 2560 : i32
      %add3A_248 = arith.addi %add3A_247, %mul3A_223 : i32
      %get3A_249 = arith.index_cast %add3A_248 : i32 to index
      %get3A_250 = tpu.vector_load %arg9[%get3A_249] {strides = array<i32>} : memref<6656xf32, #tpu.memory_space<vmem>>, vector<16xf32>,
      %add3A_251 = arith.addf %add3A_246, %get3A_250 : vector<16xf32>
      %add3A_252 = arith.constant 3072 : i32
      %add3A_253 = arith.addi %add3A_252, %mul3A_223 : i32
      %get3A_254 = arith.index_cast %add3A_253 : i32 to index
      %get3A_255 = tpu.vector_load %arg9[%get3A_254] {strides = array<i32>} : memref<6656xf32, #tpu.memory_space<vmem>>, vector<16xf32>,
      %add3A_256 = arith.addf %add3A_251, %get3A_255 : vector<16xf32>
      %add3A_257 = arith.constant 3584 : i32
      %add3A_258 = arith.addi %add3A_257, %mul3A_223 : i32
      %get3A_259 = arith.index_cast %add3A_258 : i32 to index
      %get3A_260 = tpu.vector_load %arg9[%get3A_259] {strides = array<i32>} : memref<6656xf32, #tpu.memory_space<vmem>>, vector<16xf32>,
      %add3A_261 = arith.addf %add3A_256, %get3A_260 : vector<16xf32>
      %add3A_262 = arith.constant 4096 : i32
      %add3A_263 = arith.addi %add3A_262, %mul3A_223 : i32
      %get3A_264 = arith.index_cast %add3A_263 : i32 to index
      %get3A_265 = tpu.vector_load %arg9[%get3A_264] {strides = array<i32>} : memref<6656xf32, #tpu.memory_space<vmem>>, vector<16xf32>,
      %add3A_266 = arith.addf %add3A_261, %get3A_265 : vector<16xf32>
      %add3A_267 = arith.constant 4608 : i32
      %add3A_268 = arith.addi %add3A_267, %mul3A_223 : i32
      %get3A_269 = arith.index_cast %add3A_268 : i32 to index
      %get3A_270 = tpu.vector_load %arg9[%get3A_269] {strides = array<i32>} : memref<6656xf32, #tpu.memory_space<vmem>>, vector<16xf32>,
      %add3A_271 = arith.addf %add3A_266, %get3A_270 : vector<16xf32>
      %add3A_272 = arith.constant 5120 : i32
      %add3A_273 = arith.addi %add3A_272, %mul3A_223 : i32
      %get3A_274 = arith.index_cast %add3A_273 : i32 to index
      %get3A_275 = tpu.vector_load %arg9[%get3A_274] {strides = array<i32>} : memref<6656xf32, #tpu.memory_space<vmem>>, vector<16xf32>,
      %add3A_276 = arith.addf %add3A_271, %get3A_275 : vector<16xf32>
      %add3A_277 = arith.constant 5632 : i32
      %add3A_278 = arith.addi %add3A_277, %mul3A_223 : i32
      %get3A_279 = arith.index_cast %add3A_278 : i32 to index
      %get3A_280 = tpu.vector_load %arg9[%get3A_279] {strides = array<i32>} : memref<6656xf32, #tpu.memory_space<vmem>>, vector<16xf32>,
      %add3A_281 = arith.addf %add3A_276, %get3A_280 : vector<16xf32>
      %add3A_282 = arith.constant 6144 : i32
      %add3A_283 = arith.addi %add3A_282, %mul3A_223 : i32
      %get3A_284 = arith.index_cast %add3A_283 : i32 to index
      %get3A_285 = tpu.vector_load %arg9[%get3A_284] {strides = array<i32>} : memref<6656xf32, #tpu.memory_space<vmem>>, vector<16xf32>,
      %add3A_286 = arith.addf %add3A_281, %get3A_285 : vector<16xf32>
      %swap3A = arith.index_cast %mul3A_221 : i32 to index
      %swap3A_287 = tpu.vector_load %arg10[%swap3A] {strides = array<i32>} : memref<512xf32, #tpu.memory_space<vmem>>, vector<16xf32>,
      tpu.vector_store %arg10[%swap3A], %add3A_286 {strides = array<i32>} : memref<512xf32, #tpu.memory_space<vmem>>, vector<16xf32>,
      %scan3A_288 = arith.constant 0 : i32
      scf.yield %scan3A_288 : i32
    }
    %scan3A_214 = arith.constant 32 : i32
    %mul3A_215 = arith.constant 512 : i32
    %mul3A_216 = arith.muli %arg1, %mul3A_215 : i32
    %add3A_217 = arith.addi %mul3A_0, %mul3A_216 : i32
    "tpu.region"() ({
      %run_scoped3A = tpu.sem_alloc : memref<!tpu.dma_semaphore, #tpu.memory_space<semaphore_mem>>
      %dma_start3A_218 = tpu.memref_slice %arg5[%add3A_217] : memref<16384xf32, #tpu.memory_space<hbm>> -> memref<512xf32, #tpu.memory_space<hbm>>
      %dma_start3A_219 = tpu.memref_slice %arg5[%add3A_217] : memref<16384xf32, #tpu.memory_space<hbm>> -> memref<512xf32, #tpu.memory_space<hbm>>
      tpu.enqueue_dma source(%arg10 : memref<512xf32, #tpu.memory_space<vmem>>) target(%dma_start3A_219 : memref<512xf32, #tpu.memory_space<hbm>>) target_semaphore(%run_scoped3A : memref<!tpu.dma_semaphore, #tpu.memory_space<semaphore_mem>>)
      %dma_wait3A_220 = tpu.memref_slice %arg5[%add3A_217] : memref<16384xf32, #tpu.memory_space<hbm>> -> memref<512xf32, #tpu.memory_space<hbm>>
      %dma_wait3A_221 = tpu.memref_slice %arg5[%add3A_217] : memref<16384xf32, #tpu.memory_space<hbm>> -> memref<512xf32, #tpu.memory_space<hbm>>
      tpu.wait_dma2 semaphore(%run_scoped3A : memref<!tpu.dma_semaphore, #tpu.memory_space<semaphore_mem>>) src(%arg10 : memref<512xf32, #tpu.memory_space<vmem>>) dst(%dma_wait3A_221 : memref<512xf32, #tpu.memory_space<hbm>>)
      tpu.yield
    }) : () -> ()
    return
  }
}

</mosaic_0001>

<sc_bundles>
// kernel: kernel.3.cloned.1.call-start
scs
__scs_entry_jumppad:
0x0: {  	(pc) =	sbr.rel $0x88, $3  }
0x1: {  	(tag) =	ssettag $0x0;
	lr =	simm.s32 $0x1  }
0x2: {  	[smem:$0x3F9E] =	sst lr;
	_ =	strace $0xD0000000  }
0x3: {  	_ = 	snop  }
0x4: {  	_ = 	snop  }
0x5: {  	_ = 	snop  }
0x6: {  	_ = 	snop  }
0x7: {  	_ = 	snop  }
__scs_overlays_trampoline_lowered:
0x8: {  	[smem:$0x3FAD] =	sst s0  }
0x9: {  	[smem:$0x3FAE] =	sst s1  }
0xa: {  	[smem:$0x3FAF] =	sst s2  }
0xb: {  	[smem:$0x3FB0] =	sst s3  }
0xc: {  	[smem:$0x3FB1] =	sst s4  }
0xd: {  	[smem:$0x3FB2] =	sst s5  }
0xe: {  	[smem:$0x3FB3] =	sst s6  }
0xf: {  	[smem:$0x3FB4] =	sst s7  }
0x10: {  	[smem:$0x3FB5] =	sst s8  }
0x11: {  	[smem:$0x3FB6] =	sst s9;
	s0 =	simm.s32 @!p0 $0x0  }
0x12: {  	s1 =	sld [smem:$0x3F9C];
	s0 =	simm.s32 @p0 $0x1  }
0x13: {  	[smem:$0x3FB7] =	sst s0;
	s0 =	simm.s32 @!p1 $0x0  }
0x14: {  	s2 =	sld [smem:$0x3F9B];
	s0 =	simm.s32 @p1 $0x1  }
0x15: {  	[smem:$0x3FB8] =	sst s0;
	s0 =	simm.s32 @!p2 $0x0  }
0x16: {  	s3 =	sld [smem:$0x3FDB];
	s0 =	simm.s32 @p2 $0x1  }
0x17: {  	s4 =	simm.s32 $0x1BF5;
	[smem:$0x3FBA] =	sst s0  }
0x18: {  	s0 =	sld [smem:$0x3F9D];
	_ =	swait.ge [sflag:s4], $0x0  }
0x19: {  	s7 =	sld [smem:$0x3F9E]  }
0x1a: {  	s8 =	sadd.s32 $0xFFFFE003, lr  }
0x1b: {  	s9 =	sadd.s32 $0xFFFFFEF7, lr;
	s5 =	simm.s32 $0xFFFFFFFF;
	p2 =	slt.u32 s8, $0xFFFFF086  }
0x1c: {  	p1 =	slt.u32 s9, $0xF7A;
	s5 =	simm.s32 @!p2 $0x0  }
0x1d: {  	s5 =	simm.s32 @p1 $0x1;
	p0 =	seq.s32 s7, s2  }
0x1e: {  	s7 =	smul.u32 @!p0 $0xF7A, s2;
	p2 =	seq.s32 @!p0 s5, $0x0  }
0x1f: {  	s9 =	smul.u32 $0xF7A, s1;
	s8 =	simm.s32 @!p0 $0x1BF5;
	p2 =	por !p2, p0  }
0x20: {  	[sflag:s8] =	ssyncset.s32 @!p0 $0xFFFFF086;
	s6 =	sadd.s32 @!p0 s3, s7;
	s7 =	simm.s32 @!p0 $0x108  }
0x21: {  	s3 =	sadd.s32 s3, s9;
	s6 =	sadd.s32 @!p0 $0x88, s6;
	s7 =	simm.s32 @p2 $0x1082  }
0x22: {  	[simem:s7], [sflag:s8] =	dma.local @!p0 [hbm:s6], $0xF7A  }
0x23: {  	s9 =	sor.u32 $0xD0000000, s2;
	s6 =	simm.s32 $0x108;
	_ =	swait.ge @!p0 [sflag:s8], $0x0  }
0x24: {  	s3 =	sadd.s32 $0x88, s3;
	s6 =	simm.s32 @!p1 $0x1082;
	[sflag:s4] =	ssyncset.s32 $0xFFFFF086  }
0x25: {  	[simem:s6], [sflag:s4] =	dma.local [hbm:s3], $0xF7A  }
0x26: {  	[smem:$0x3F9E] =	sst s1;
	(tag) =	ssettag s2;
	_ =	strace s9  }
0x27: {  	s1 =	sld [smem:$0x3FAE]  }
0x28: {  	s2 =	sld [smem:$0x3FAF]  }
0x29: {  	s4 =	sld [smem:$0x3FB1]  }
0x2a: {  	p0 =	seq.s32 s5, $0x0;
	s5 =	sld [smem:$0x3FB2]  }
0x2b: {  	s6 =	sld [smem:$0x3FB3]  }
0x2c: {  	s7 =	sld [smem:$0x3FB4]  }
0x2d: {  	s3 =	simm.s32 $0x108;
	s8 =	sld [smem:$0x3FB5]  }
0x2e: {  	s3 =	simm.s32 @!p0 $0x1082;
	s9 =	sld [smem:$0x3FB6]  }
0x2f: {  	lr =	sadd.s32 s0, s3;
	s0 =	sld [smem:$0x3FAD]  }
0x30: {  	s3 =	sld [smem:$0x3FB0]  }
0x31: {  	[smem:$0x3FB9] =	sst s10  }
0x32: {  	s10 =	sld [smem:$0x3FB7];
	_ =	sdelay $0x3  }
0x33: {  	p0 =	seq.s32 s10, $0x1;
	s10 =	sld [smem:$0x3FB9];
	_ =	sdelay $0x3  }
0x34: {  	[smem:$0x3FB9] =	sst s10  }
0x35: {  	s10 =	sld [smem:$0x3FB8];
	_ =	sdelay $0x3  }
0x36: {  	p1 =	seq.s32 s10, $0x1;
	s10 =	sld [smem:$0x3FB9];
	_ =	sdelay $0x3  }
0x37: {  	[smem:$0x3FB9] =	sst s10  }
0x38: {  	s10 =	sld [smem:$0x3FBA]  }
0x39: {  	_ = 	snop;
	(pc) =	sbr.ind lr, $3  }
0x3a: {  	_ = 	snop  }
0x3b: {  	_ = 	snop  }
0x3c: {  	p2 =	seq.s32 s10, $0x1;
	s10 =	sld [smem:$0x3FB9]  }
0x3d: {  	_ =	shalt  }
0x3e: {  	_ =	shalt  }
0x3f: {  	_ =	shalt  }
0x40: {  	_ =	shalt  }
0x41: {  	_ =	shalt  }
0x42: {  	_ =	shalt  }
0x43: {  	_ =	shalt  }
0x44: {  	_ =	shalt  }
0x45: {  	_ =	shalt  }
0x46: {  	_ =	shalt  }
0x47: {  	_ =	shalt  }
0x48: {  	_ =	shalt  }
0x49: {  	_ =	shalt  }
0x4a: {  	_ =	shalt  }
0x4b: {  	_ =	shalt  }
0x4c: {  	_ =	shalt  }
0x4d: {  	_ =	shalt  }
0x4e: {  	_ =	shalt  }
0x4f: {  	_ =	shalt  }
0x50: {  	_ =	shalt  }
0x51: {  	_ =	shalt  }
0x52: {  	_ =	shalt  }
0x53: {  	_ =	shalt  }
0x54: {  	_ =	shalt  }
0x55: {  	_ =	shalt  }
0x56: {  	_ =	shalt  }
0x57: {  	_ =	shalt  }
0x58: {  	_ =	shalt  }
0x59: {  	_ =	shalt  }
0x5a: {  	_ =	shalt  }
0x5b: {  	_ =	shalt  }
0x5c: {  	_ =	shalt  }
0x5d: {  	_ =	shalt  }
0x5e: {  	_ =	shalt  }
0x5f: {  	_ =	shalt  }
0x60: {  	_ =	shalt  }
0x61: {  	_ =	shalt  }
0x62: {  	_ =	shalt  }
0x63: {  	_ =	shalt  }
0x64: {  	_ =	shalt  }
0x65: {  	_ =	shalt  }
0x66: {  	_ =	shalt  }
0x67: {  	_ =	shalt  }
0x68: {  	_ =	shalt  }
0x69: {  	_ =	shalt  }
0x6a: {  	_ =	shalt  }
0x6b: {  	_ =	shalt  }
0x6c: {  	_ =	shalt  }
0x6d: {  	_ =	shalt  }
0x6e: {  	_ =	shalt  }
0x6f: {  	_ =	shalt  }
0x70: {  	_ =	shalt  }
0x71: {  	_ =	shalt  }
0x72: {  	_ =	shalt  }
0x73: {  	_ =	shalt  }
0x74: {  	_ =	shalt  }
0x75: {  	_ =	shalt  }
0x76: {  	_ =	shalt  }
0x77: {  	_ =	shalt  }
0x78: {  	_ =	shalt  }
0x79: {  	_ =	shalt  }
0x7a: {  	_ =	shalt  }
0x7b: {  	_ =	shalt  }
0x7c: {  	_ =	shalt  }
0x7d: {  	_ =	shalt  }
0x7e: {  	_ =	shalt  }
0x7f: {  	_ =	shalt  }
0x80: {  	_ =	shalt  }
0x81: {  	_ =	shalt  }
0x82: {  	_ =	shalt  }
0x83: {  	_ =	shalt  }
0x84: {  	_ =	shalt  }
0x85: {  	_ =	shalt  }
0x86: {  	_ =	shalt  }
0x87: {  	_ =	shalt  }
.Lfunc_end0:
.L_simem_size_0:
called_computation_lowered:
.L_overlay_start_0:
0x88: {  	s2 =	sld [smem:$0x3FD9]  }
0x89: {  	s3 =	sld [smem:$0x3FFE];
	_ =	sdelay $0x1  }
0x8a: {  	s1 =	srdreg.scid  }
0x8b: {  	s0 =	sand.u32 $0x1, s1  }
0x8c: {  	s17 =	sshll.u32 s0, $0xA;
	s2 =	sadd.s32 s3, s2  }
0x8d: {  	s2 =	sadd.s32 s2, s17  }
0x8e: {  	[smem:$0x3FC5] =	sst s2  }
0x8f: {  	_ = 	snop  }
0x90: {  	s2 =	sld [smem:$0x3FD0];
	(tm) =	ssettm $0x1  }
0x91: {  	s18 =	sld [smem:$0x3FFB];
	_ =	sdelay $0x3  }
0x92: {  	_ =	strace s18  }
0x93: {  	s3 =	sld [smem:$0x3FFC];
	_ =	sdelay $0x3  }
0x94: {  	_ =	strace s3  }
0x95: {  	s3 =	sld [smem:$0x3FFD];
	_ =	sdelay $0x3  }
0x96: {  	_ =	strace s3  }
0x97: {  	_ =	strace $0x8FFFFFFF  }
0x98: {  	s19 =	sld [smem:$0x3FDB];
	_ =	sdelay $0x1  }
0x99: {  	s4 =	simm.s32 $_scs_section_size  }
0x9a: {  	s5 =	simm.s32 $_size__tile_overlayer_lowered;
	s6 =	simm.s32 $_tile_overlayer_lowered  }
0x9b: {  	s22 =	simm.s32 $0x1BFF;
	s21 =	sshll.u32 s6, $0x1;
	s3 =	sadd.s32 s4, s19  }
0x9c: {  	s7 =	simm.s32 $0x0;
	s20 =	sshll.u32 s5, $0x1;
	s5 =	sadd.s32 s21, s3  }
0x9d: {  	[timem:s7], [sflag:s22] =	dma.local [hbm:s5], s20  }
0x9e: {  	_ =	swait.ge [sflag:s22], s20  }
0x9f: {  	s4 =	ssub.s32 $0x0, s20;
	[sflag:s22] =	ssyncset.done $0x0  }
0xa0: {  	[sflag:s22] =	ssyncadd.s32 s4;
	_ =	sdelay $0x1  }
0xa1: {  	s23 =	simm.s32 $0x1B8B  }
0xa2: {  	_ =	swait.ge [sflag:s23], $0x1  }
0xa3: {  	[sflag:s23] =	ssyncset.done $0x0  }
0xa4: {  	s25 =	simm.s32 $0x1B8E;
	s24 =	sld [smem:$0x3FFE];
	[sflag:s23] =	ssyncadd.s32 $0xFFFFFFFF  }
0xa5: {  	s26 =	simm.s32 $execute0_lowered;
	[smem:$0x3FD2] =	sst s25  }
0xa6: {  	s5 =	sshll.u32 s26, $0x1;
	_ =	strace $0x80000046;
	[dreg:$0x1] =	wrdreg $0xFFFFFFFF  }
0xa7: {  	s28 =	simm.s32 $_size_execute0_lowered;
	s3 =	sadd.s32 s3, s5;
	[dreg:$0x0] =	wrdreg $0x0  }
0xa8: {  	s5 =	sshll.u32 s28, $0x1;
	[dreg:$0x2] =	wrdreg s3  }
0xa9: {  	[dreg:$0x3] =	wrdreg s5  }
0xaa: {  	[dreg:$0x4] =	wrdreg $0xC0  }
0xab: {  	_ =	task [dreg:s7], $0x5FFFF  }
0xac: {  	[dreg:$0x1] =	wrdreg $0xFFFFFFFF  }
0xad: {  	[dreg:$0x0] =	wrdreg $0x60  }
0xae: {  	[dreg:$0x2] =	wrdreg s24  }
0xaf: {  	[dreg:$0x3] =	wrdreg s2  }
0xb0: {  	[dreg:$0x4] =	wrdreg $0x1B4900  }
0xb1: {  	[dreg:$0x5] =	wrdreg $0x9  }
0xb2: {  	_ =	task.clear_ibuf [dreg:s7], $0x6FFFF;
	_ =	strace $0x90000046  }
0xb3: {  	s29 =	simm.s32 $0x9;
	_ =	strace $0x80000048  }
0xb4: {  	_ =	swait.ge [sflag:s29], $0x1  }
0xb5: {  	[sflag:s29] =	ssyncadd.s32 $0xFFFFFFFF  }
0xb6: {  	_ =	strace $0x90000048  }
0xb7: {  	_ =	sfence  }
0xb8: {  	s30 =	sld [smem:$0x0];
	_ =	sdelay $0x2  }
0xb9: {  	s31 =	sshll.u32 s1, $0xD;
	s1 =	sshrl.u32 s1, $0x2  }
0xba: {  	s3 =	sand.u32 $0x4000, s31;
	s1 =	sadd.s32 s1, s30  }
0xbb: {  	s0 =	sor.u32 s3, s0;
	s1 =	sshll.u32 s1, $0x11  }
0xbc: {  	s0 =	sor.u32 s1, s0  }
0xbd: {  	s0 =	sadd.s32 $0x8F2B, s0  }
0xbe: {  	[sflag:s0] =	ssyncadd.remote.s32 $0x1  }
0xbf: {  	_ =	sfence.sel $0xFFFF  }
0xc0: {  	[dreg:$0x0] =	wrdreg $0xFFFFFFFF;
	(pc) =	sbr.abs _section_cstart, $3  }
0xc1: {  	[dreg:$0x1] =	wrdreg $0xFFFFFFFF  }
0xc2: {  	_ =	task.clear_ibuf [dreg:s7], $0x2FFFF;
	_ =	strace $0x9FFFFFFF  }
0xc3: {  	(tm) =	ssettm $0x7FFFFFFF  }
tec
execute0_lowered:
.L_overlay_start_1:
0x0: {  	(tag) =	ssettag $0x1  }
0x1: {  	s0 =	rddreg [dreg:$0x0]  }
0x2: {  	s1 =	rddreg [dreg:$0x1]  }
0x3: {  	s4 =	rddreg [dreg:$0x2];
	s2 =	srdreg.scid  }
0x4: {  	s23 =	stileid.u32;
	s28 =	simm.s32 $0x2;
	s29 =	simm.s32 $0x1AE80  }
0x5: {  	s30 =	simm.s32 $0x1B080;
	s31 =	simm.s32 $0x1B280;
	s3 =	sand.u32 $0x1, s2  }
0x6: {  	s2 =	simm.s32 $0x0;
	s6 =	sshll.u32 s23, $0xF;
	s8 =	smul.u32 $0x2710, s23  }
0x7: {  	s25 =	sshll.u32 s23, $0x9;
	p0 =	sgt.u32 s23, $0xC;
	s5 =	sshll.u32 s3, $0xD  }
0x8: {  	[smem:$0x7FF] =	sst s2;
	s9 =	ssub.s32 $0x2, s3;
	s3 =	sadd.s32 $0x2D000, s0  }
0x9: {  	s7 =	sor.u32 s5, s6;
	_ =	strace $0x80000047;
	s10 =	sshrl.u32 s9, $0x1  }
0xa: {  	s8 =	sadd.s32 s8, s0;
	s6 =	sshrl.u32 s6, $0x2;
	s26 =	sor.u32 s25, s5  }
0xb: {  	s5 =	simm.s32 $0x1A880;
	s7 =	sshrl.u32 s7, $0x3;
	s8 =	sadd.s32 $0xD400, s8  }
0xc: {  	s22 =	ssub.s32 s9, s10;
	s7 =	sadd.s32 s7, s0;
	[dreg:$0x4] =	wrdreg s8  }
0xd: {  	s22 =	smax.u32 s22, $0x1;
	s8 =	simm.s32 $0x1AC80;
	s24 =	sadd.s32 $0x400, s7  }
0xe: {  	s0 =	simm.s32 $0x0;
	s7 =	sadd.s32 $0xC00, s7;
	[dreg:$0x5] =	wrdreg s24  }
0xf: {  	[dreg:$0x6] =	wrdreg s7;
	s7 =	sadd.s32 s25, s4;
	s4 =	sadd.s32 s6, s4  }
0x10: {  	s25 =	simm.s32 $0x1;
	s6 =	simm.s32 $0x1AA80;
	[dreg:$0x7] =	wrdreg s4  }
0x11: {  	s9 =	sadd.s32 $0x2000, s7;
	s10 =	sadd.s32 $0x4000, s7;
	s11 =	sadd.s32 $0x6000, s7  }
0x12: {  	s12 =	sadd.s32 $0x8000, s7;
	s13 =	sadd.s32 $0xA000, s7;
	s14 =	sadd.s32 $0xC000, s7  }
0x13: {  	s15 =	sadd.s32 $0xE000, s7;
	s16 =	sadd.s32 $0x10000, s7;
	s17 =	sadd.s32 $0x12000, s7  }
0x14: {  	s18 =	sadd.s32 $0x14000, s7;
	s19 =	sadd.s32 $0x16000, s7;
	s4 =	sshrl.u32 s26, $0x3  }
0x15: {  	s20 =	sadd.s32 $0x18000, s7;
	s21 =	sadd.s32 s1, s4;
	s4 =	simm.s32 $0x1A680  }
.LBB2_1:
.Ltmp0:
0x16: {  	(pc) =	sbr.rel @p0 .LBB2_5-.Ltmp0, $1  }
0x17: {  	_ =	sdelay $0x3  }
0x18: {  	s1 =	simm.s32 $0x0;
	s23 =	rddreg [dreg:$0x4]  }
0x19: {  	[tilespmem:s1], [sflag:$0x1] =	stream.linear.gather [hbm4b:s23+s1], $0x13880, $0x38;
	[tilespmem:$0x1CE90] =	vst v63  }
0x1a: {  	s26 =	rddreg [dreg:$0x5];
	s24 =	simm.s32 $0x13880  }
0x1b: {  	[tilespmem:s24], [sflag:$0x1] =	stream.linear.gather [hbm4b:s26+s1], $0x2000, $0x38;
	[tilespmem:$0x1CE90] =	vst v63  }
0x1c: {  	s24 =	rddreg [dreg:$0x6];
	s26 =	simm.s32 $0x15880  }
0x1d: {  	[tilespmem:s26], [sflag:$0x1] =	stream.linear.gather [hbm4b:s24+s1], $0x2000, $0x38;
	[tilespmem:$0x1CE90] =	vst v63  }
0x1e: {  	_ =	swait.ge [sflag:s25], $0x13880  }
0x1f: {  	[sflag:s25] =	ssyncset.done $0x0  }
0x20: {  	[sflag:s25] =	ssyncadd.s32 $0xFFFEC780  }
0x21: {  	_ =	swait.ge [sflag:s25], $0x2000  }
0x22: {  	[sflag:s25] =	ssyncset.done $0x0  }
0x23: {  	[sflag:s25] =	ssyncadd.s32 $0xFFFFE000  }
0x24: {  	_ =	swait.ge [sflag:s25], $0x2000  }
0x25: {  	[sflag:s25] =	ssyncset.done $0x0  }
0x26: {  	s23 =	simm.s32 $0x0;
	[sflag:s25] =	ssyncadd.s32 $0xFFFFE000  }
0x27: {  	v0 =	vld [tilespmem:s23+$0x15880];
	_ =	sdelay $0x4  }
0x28: {  	v2 =	vadd.s32 $0x9C40, v0;
	v0 =	vld [tilespmem:s23+$0x13880];
	_ =	sdelay $0x4  }
0x29: {  	s1 =	simm.s32 $0x10  }
0x2a: {  	v1 =	vld [tilespmem:s1+$0x15880]  }
0x2b: {  	s24 =	simm.s32 $0x80;
	v2 =	vld.idx.msk [tilespmem:v2+s2+$0x0], $0xffff  }
.LBB2_3:
0x2c: {  	p1 =	sne.s32 s24, $0x7FC0;
	v3 =	vld.idx.msk [tilespmem:v0+s2+$0x0], $0xffff;
	_ =	sdelay $0x1  }
0x2d: {  	v0 =	vld [tilespmem:s1+$0x13880];
	_ =	sdelay $0x1  }
0x2e: {  	v4 =	vadd.s32 $0x9C40, v1  }
.Ltmp1:
0x2f: {  	(pc) =	sbr.rel @p1 .LBB2_3-.Ltmp1, $4  }
0x30: {  	v2 =	vadd.f32 v2, v3  }
0x31: {  	s26 =	sshra.s32 s24, $0x2  }
0x32: {  	v1 =	vld [tilespmem:s26+$0x15880];
	[tilespmem:s23+$0x17880] =	vst v2;
	s23 =	smov.u32 s1;
	s1 =	smov.u32 s26  }
0x33: {  	s24 =	sadd.s32 $0x40, s24;
	v2 =	vld.idx.msk [tilespmem:v4+s2+$0x0], $0xffff  }
0x34: {  	_ =	sdelay $0x3  }
0x35: {  	v0 =	vld.idx.msk [tilespmem:v0+s2+$0x0], $0xffff  }
0x36: {  	v3 =	vld [tilespmem:s1+$0x13880];
	_ =	sdelay $0x1  }
0x37: {  	v1 =	vadd.s32 $0x9C40, v1;
	_ =	sdelay $0x1  }
0x38: {  	v0 =	vadd.f32 v2, v0;
	_ =	sdelay $0x1  }
0x39: {  	[tilespmem:s23+$0x17880] =	vst v0  }
0x3a: {  	v0 =	vld.idx.msk [tilespmem:v1+s2+$0x0], $0xffff  }
0x3b: {  	v63 =	vld.idx.msk [tilespmem:v3+s2+$0x0], $0xffff;
	_ =	sdelay $0x4  }
0x3c: {  	v0 =	vadd.f32 v0, v63;
	_ =	sdelay $0x1  }
0x3d: {  	s24 =	rddreg [dreg:$0x7];
	s26 =	simm.s32 $0x17880;
	[tilespmem:s1+$0x17880] =	vst v0  }
0x3e: {  	[spmem:s24] =	stream.linear.scatter [tilespmem:s26], [sflag:$0x2], $0x2000, $0x38;
	[tilespmem:$0x1CE90] =	vst v63  }
0x3f: {  	_ =	swait.ge [sflag:s28], $0x2000  }
0x40: {  	[sflag:s28] =	ssyncset.done $0x0  }
0x41: {  	[sflag:s28] =	ssyncadd.s32 $0xFFFFE000  }
.LBB2_5:
0x42: {  	[bflag:$0x0] =	sbarrier.arrive $0xFFFF;
	s1 =	simm.s32 $0x0;
	s23 =	simm.s32 $0x1B480  }
0x43: {  	[tilespmem:s23], [sflag:$0x2] =	stream.linear.gather [hbm4b:s3+s1], $0x10, $0x38;
	[tilespmem:$0x1CE90] =	vst v63  }
0x44: {  	_ =	swait.ge [sflag:s28], $0x10  }
0x45: {  	[sflag:s28] =	ssyncset.done $0x0  }
0x46: {  	s26 =	simm.s32 $0x19880;
	[sflag:s28] =	ssyncadd.s32 $0xFFFFFFF0  }
0x47: {  	[tilespmem:s26], [sflag:$0x1] =	stream.linear.gather [spmem:s7], $0x200, $0x38;
	[tilespmem:$0x1CE90] =	vst v63  }
0x48: {  	s23 =	simm.s32 $0x19A80  }
0x49: {  	[tilespmem:s23], [sflag:$0x1] =	stream.linear.gather [spmem:s9], $0x200, $0x38;
	[tilespmem:$0x1CE90] =	vst v63  }
0x4a: {  	s24 =	simm.s32 $0x19C80  }
0x4b: {  	[tilespmem:s24], [sflag:$0x1] =	stream.linear.gather [spmem:s10], $0x200, $0x38;
	[tilespmem:$0x1CE90] =	vst v63  }
0x4c: {  	s26 =	simm.s32 $0x19E80  }
0x4d: {  	[tilespmem:s26], [sflag:$0x1] =	stream.linear.gather [spmem:s11], $0x200, $0x38;
	[tilespmem:$0x1CE90] =	vst v63  }
0x4e: {  	s23 =	simm.s32 $0x1A080  }
0x4f: {  	[tilespmem:s23], [sflag:$0x1] =	stream.linear.gather [spmem:s12], $0x200, $0x38;
	[tilespmem:$0x1CE90] =	vst v63  }
0x50: {  	s24 =	simm.s32 $0x1A280  }
0x51: {  	[tilespmem:s24], [sflag:$0x1] =	stream.linear.gather [spmem:s13], $0x200, $0x38;
	[tilespmem:$0x1CE90] =	vst v63  }
0x52: {  	s26 =	simm.s32 $0x1A480  }
0x53: {  	[tilespmem:s26], [sflag:$0x1] =	stream.linear.gather [spmem:s14], $0x200, $0x38;
	[tilespmem:$0x1CE90] =	vst v63  }
0x54: {  	_ = 	snop  }
0x55: {  	[tilespmem:s4], [sflag:$0x1] =	stream.linear.gather [spmem:s15], $0x200, $0x38;
	[tilespmem:$0x1CE90] =	vst v63  }
0x56: {  	_ = 	snop  }
0x57: {  	[tilespmem:s5], [sflag:$0x1] =	stream.linear.gather [spmem:s16], $0x200, $0x38;
	[tilespmem:$0x1CE90] =	vst v63  }
0x58: {  	_ = 	snop  }
0x59: {  	[tilespmem:s6], [sflag:$0x1] =	stream.linear.gather [spmem:s17], $0x200, $0x38;
	[tilespmem:$0x1CE90] =	vst v63  }
0x5a: {  	_ = 	snop  }
0x5b: {  	[tilespmem:s8], [sflag:$0x1] =	stream.linear.gather [spmem:s18], $0x200, $0x38;
	[tilespmem:$0x1CE90] =	vst v63  }
0x5c: {  	_ = 	snop  }
0x5d: {  	[tilespmem:s29], [sflag:$0x1] =	stream.linear.gather [spmem:s19], $0x200, $0x38;
	[tilespmem:$0x1CE90] =	vst v63  }
0x5e: {  	_ = 	snop  }
0x5f: {  	[tilespmem:s30], [sflag:$0x1] =	stream.linear.gather [spmem:s20], $0x200, $0x38;
	[tilespmem:$0x1CE90] =	vst v63  }
0x60: {  	_ =	swait.ge [sflag:s25], $0x200  }
0x61: {  	[sflag:s25] =	ssyncset.done $0x0  }
0x62: {  	[sflag:s25] =	ssyncadd.s32 $0xFFFFFE00  }
0x63: {  	_ =	swait.ge [sflag:s25], $0x200  }
0x64: {  	[sflag:s25] =	ssyncset.done $0x0  }
0x65: {  	[sflag:s25] =	ssyncadd.s32 $0xFFFFFE00  }
0x66: {  	_ =	swait.ge [sflag:s25], $0x200  }
0x67: {  	[sflag:s25] =	ssyncset.done $0x0  }
0x68: {  	[sflag:s25] =	ssyncadd.s32 $0xFFFFFE00  }
0x69: {  	_ =	swait.ge [sflag:s25], $0x200  }
0x6a: {  	[sflag:s25] =	ssyncset.done $0x0  }
0x6b: {  	[sflag:s25] =	ssyncadd.s32 $0xFFFFFE00  }
0x6c: {  	_ =	swait.ge [sflag:s25], $0x200  }
0x6d: {  	[sflag:s25] =	ssyncset.done $0x0  }
0x6e: {  	[sflag:s25] =	ssyncadd.s32 $0xFFFFFE00  }
0x6f: {  	_ =	swait.ge [sflag:s25], $0x200  }
0x70: {  	[sflag:s25] =	ssyncset.done $0x0  }
0x71: {  	[sflag:s25] =	ssyncadd.s32 $0xFFFFFE00  }
0x72: {  	_ =	swait.ge [sflag:s25], $0x200  }
0x73: {  	[sflag:s25] =	ssyncset.done $0x0  }
0x74: {  	[sflag:s25] =	ssyncadd.s32 $0xFFFFFE00  }
0x75: {  	_ =	swait.ge [sflag:s25], $0x200  }
0x76: {  	[sflag:s25] =	ssyncset.done $0x0  }
0x77: {  	[sflag:s25] =	ssyncadd.s32 $0xFFFFFE00  }
0x78: {  	_ =	swait.ge [sflag:s25], $0x200  }
0x79: {  	[sflag:s25] =	ssyncset.done $0x0  }
0x7a: {  	[sflag:s25] =	ssyncadd.s32 $0xFFFFFE00  }
0x7b: {  	_ =	swait.ge [sflag:s25], $0x200  }
0x7c: {  	[sflag:s25] =	ssyncset.done $0x0  }
0x7d: {  	[sflag:s25] =	ssyncadd.s32 $0xFFFFFE00  }
0x7e: {  	_ =	swait.ge [sflag:s25], $0x200  }
0x7f: {  	[sflag:s25] =	ssyncset.done $0x0  }
0x80: {  	[sflag:s25] =	ssyncadd.s32 $0xFFFFFE00  }
0x81: {  	_ =	swait.ge [sflag:s25], $0x200  }
0x82: {  	[sflag:s25] =	ssyncset.done $0x0  }
0x83: {  	[sflag:s25] =	ssyncadd.s32 $0xFFFFFE00  }
0x84: {  	_ =	swait.ge [sflag:s25], $0x200  }
0x85: {  	[sflag:s25] =	ssyncset.done $0x0  }
0x86: {  	[sflag:s25] =	ssyncadd.s32 $0xFFFFFE00  }
0x87: {  	s23 =	simm.s32 $0x0;
	v0 =	vld [tilespmem:$0x1B480]  }
0x88: {  	v1 =	vld [tilespmem:s23+$0x19880];
	_ =	sdelay $0x1  }
0x89: {  	v2 =	vld [tilespmem:s23+$0x19A80];
	_ =	sdelay $0x1  }
0x8a: {  	v3 =	vld [tilespmem:s23+$0x19C80]  }
0x8b: {  	v1 =	vadd.f32 v1, v0  }
0x8c: {  	v4 =	vld [tilespmem:s23+$0x19E80]  }
0x8d: {  	v1 =	vadd.f32 v2, v1  }
0x8e: {  	v2 =	vld [tilespmem:s23+$0x1A080]  }
0x8f: {  	v1 =	vadd.f32 v3, v1  }
0x90: {  	v3 =	vld [tilespmem:s23+$0x1A280]  }
0x91: {  	v1 =	vadd.f32 v4, v1  }
0x92: {  	s1 =	simm.s32 $0x10;
	v4 =	vld [tilespmem:s23+$0x1A480]  }
0x93: {  	v5 =	vld [tilespmem:s1+$0x19880];
	v1 =	vadd.f32 v2, v1  }
0x94: {  	v2 =	vld [tilespmem:s23+$0x1A680]  }
0x95: {  	v6 =	vld [tilespmem:s1+$0x19A80];
	v1 =	vadd.f32 v3, v1  }
0x96: {  	v3 =	vld [tilespmem:s23+$0x1A880]  }
0x97: {  	v7 =	vld [tilespmem:s1+$0x19C80];
	v1 =	vadd.f32 v4, v1  }
0x98: {  	v5 =	vadd.f32 v5, v0;
	v4 =	vld [tilespmem:s23+$0x1AA80]  }
0x99: {  	v8 =	vld [tilespmem:s1+$0x19E80];
	v2 =	vadd.f32 v2, v1  }
0x9a: {  	v9 =	vld [tilespmem:s23+$0x1AC80];
	v5 =	vadd.f32 v6, v5  }
0x9b: {  	v1 =	vld [tilespmem:s1+$0x1A080];
	v6 =	vadd.f32 v3, v2  }
0x9c: {  	v5 =	vadd.f32 v7, v5;
	v3 =	vld [tilespmem:s23+$0x1AE80]  }
0x9d: {  	v2 =	vld [tilespmem:s1+$0x1A280];
	v7 =	vadd.f32 v4, v6  }
0x9e: {  	v4 =	vld [tilespmem:s23+$0x1B080];
	v6 =	vadd.f32 v8, v5  }
0x9f: {  	s24 =	simm.s32 $0x20;
	s26 =	simm.s32 $0xC0;
	v5 =	vld [tilespmem:s1+$0x1A480];
	v7 =	vadd.f32 v9, v7  }
.LBB2_6:
0xa0: {  	p1 =	sne.s32 s26, $0x7C0;
	v8 =	vld [tilespmem:s24+$0x19880];
	v1 =	vadd.f32 v1, v6  }
0xa1: {  	v6 =	vld [tilespmem:s1+$0x1A680];
	v3 =	vadd.f32 v3, v7  }
0xa2: {  	v7 =	vld [tilespmem:s24+$0x19A80];
	v1 =	vadd.f32 v2, v1  }
0xa3: {  	v2 =	vld [tilespmem:s1+$0x1A880];
	v3 =	vadd.f32 v4, v3  }
0xa4: {  	v4 =	vld [tilespmem:s24+$0x19C80];
	v1 =	vadd.f32 v5, v1  }
0xa5: {  	v5 =	vadd.f32 v8, v0;
	v8 =	vld [tilespmem:s1+$0x1AA80];
	[tilespmem:s23+$0x1B280] =	vst v3;
	s23 =	smov.u32 s1;
	s1 =	smov.u32 s24  }
0xa6: {  	v9 =	vld [tilespmem:s1+$0x19E80];
	v3 =	vadd.f32 v6, v1  }
0xa7: {  	v5 =	vadd.f32 v7, v5;
	v7 =	vld [tilespmem:s23+$0x1AC80]  }
.Ltmp2:
0xa8: {  	v1 =	vld [tilespmem:s1+$0x1A080];
	v6 =	vadd.f32 v2, v3;
	(pc) =	sbr.rel @p1 .LBB2_6-.Ltmp2, $4  }
0xa9: {  	v4 =	vadd.f32 v4, v5;
	v3 =	vld [tilespmem:s23+$0x1AE80]  }
0xaa: {  	v2 =	vld [tilespmem:s1+$0x1A280];
	v8 =	vadd.f32 v8, v6  }
0xab: {  	v6 =	vadd.f32 v9, v4;
	v4 =	vld [tilespmem:s23+$0x1B080]  }
0xac: {  	s24 =	sshra.s32 s26, $0x2;
	s26 =	sadd.s32 $0x40, s26;
	v5 =	vld [tilespmem:s1+$0x1A480];
	v7 =	vadd.f32 v7, v8  }
0xad: {  	v8 =	vld [tilespmem:s24+$0x19880]  }
0xae: {  	v9 =	vld [tilespmem:s1+$0x1A680];
	v1 =	vadd.f32 v1, v6;
	v3 =	vadd.f32 v3, v7  }
0xaf: {  	v48 =	vld [tilespmem:s24+$0x19A80]  }
0xb0: {  	v49 =	vld [tilespmem:s1+$0x1A880];
	v1 =	vadd.f32 v2, v1;
	v50 =	vadd.f32 v4, v3  }
0xb1: {  	v51 =	vld [tilespmem:s24+$0x19C80]  }
0xb2: {  	v52 =	vld [tilespmem:s1+$0x1AA80];
	v1 =	vadd.f32 v5, v1;
	v0 =	vadd.f32 v8, v0;
	[tilespmem:s23+$0x1B280] =	vst v50  }
0xb3: {  	v2 =	vld [tilespmem:s24+$0x19E80]  }
0xb4: {  	v1 =	vadd.f32 v9, v1;
	v53 =	vld [tilespmem:s1+$0x1AC80];
	v0 =	vadd.f32 v48, v0  }
0xb5: {  	v54 =	vld [tilespmem:s24+$0x1A080]  }
0xb6: {  	v55 =	vld [tilespmem:s1+$0x1AE80];
	v1 =	vadd.f32 v49, v1;
	v0 =	vadd.f32 v51, v0  }
0xb7: {  	v56 =	vld [tilespmem:s24+$0x1A280]  }
0xb8: {  	v57 =	vld [tilespmem:s1+$0x1B080];
	v1 =	vadd.f32 v52, v1;
	v0 =	vadd.f32 v2, v0  }
0xb9: {  	v58 =	vld [tilespmem:s24+$0x1A480]  }
0xba: {  	v1 =	vadd.f32 v53, v1;
	v0 =	vadd.f32 v54, v0  }
0xbb: {  	v59 =	vld [tilespmem:s24+$0x1A680]  }
0xbc: {  	v1 =	vadd.f32 v55, v1;
	v0 =	vadd.f32 v56, v0  }
0xbd: {  	v60 =	vld [tilespmem:s24+$0x1A880]  }
0xbe: {  	v1 =	vadd.f32 v57, v1;
	v0 =	vadd.f32 v58, v0  }
0xbf: {  	v61 =	vld [tilespmem:s24+$0x1AA80]  }
0xc0: {  	[tilespmem:s1+$0x1B280] =	vst v1;
	v0 =	vadd.f32 v59, v0  }
0xc1: {  	v1 =	vld [tilespmem:s24+$0x1AC80]  }
0xc2: {  	v0 =	vadd.f32 v60, v0  }
0xc3: {  	v62 =	vld [tilespmem:s24+$0x1AE80]  }
0xc4: {  	v0 =	vadd.f32 v61, v0  }
0xc5: {  	v63 =	vld [tilespmem:s24+$0x1B080]  }
0xc6: {  	v0 =	vadd.f32 v1, v0;
	_ =	sdelay $0x1  }
0xc7: {  	v0 =	vadd.f32 v62, v0;
	_ =	sdelay $0x1  }
0xc8: {  	s0 =	sadd.s32 $0x1, s0;
	v0 =	vadd.f32 v63, v0  }
0xc9: {  	p1 =	sne.s32 s0, s22  }
.Ltmp3:
0xca: {  	[tilespmem:s24+$0x1B280] =	vst v0;
	(pc) =	sbr.rel @p1 .LBB2_1-.Ltmp3, $4  }
0xcb: {  	[hbm4b:s21+s2] =	stream.linear.scatter [tilespmem:s31], [sflag:$0x2], $0x200, $0x38;
	[tilespmem:$0x1CE90] =	vst v63  }
0xcc: {  	_ =	swait.ge [sflag:s28], $0x200  }
0xcd: {  	[sflag:s28] =	ssyncset.done $0x0  }
0xce: {  	[sflag:s28] =	ssyncadd.s32 $0xFFFFFE00  }
0xcf: {  	_ =	sfence.sel $0x180000  }
0xd0: {  	[bflag:$0x0] =	sbarrier.arrive $0xFFFF  }
0xd1: {  	_ =	strace $0x90000047  }
0xd2: {  	s0 =	stileid.u32;
	[bflag:$0x2] =	sbarrier.arrive $0xFFFF  }
0xd3: {  	p0 =	sne.s32 s0, $0x0;
	s0 =	rddreg [dreg:$0x3]  }
0xd4: {  	s0 =	sadd.s32 @!p0 $0x100000, s0  }
0xd5: {  	[sflag:s0] =	ssyncadd.tile.s32 @!p0 $0x1;
	_ =	shalt  }
.Lfunc_end2:
_tile_overlayer_lowered:
.L_overlay_start_2:
0xd6: {  	(tag) =	ssettag $0x2  }
0xd7: {  	s0 =	rddreg [dreg:$0x0];
	s2 =	stileid.u32  }
0xd8: {  	s1 =	rddreg [dreg:$0x1];
	p0 =	sne.s32 s2, $0x0  }
0xd9: {  	s3 =	rddreg [dreg:$0x2];
	[bflag:$0x3] =	sbarrier.arrive $0xFFFF;
	s2 =	simm.s32 @!p0 $0x1C02  }
0xda: {  	[timem:s3], [sflag:s2] =	dma.local @!p0 [hbm:s0], s1  }
0xdb: {  	s0 =	simm.s32 @!p0 $0x2  }
0xdc: {  	_ =	swait.ge @!p0 [sflag:s0], s1  }
0xdd: {  	s1 =	ssub.s32 @!p0 $0x0, s1;
	[sflag:s0] =	ssyncset.done @!p0 $0x0  }
0xde: {  	[sflag:s0] =	ssyncadd.s32 @!p0 s1  }
0xdf: {  	[bflag:$0x3] =	sbarrier.arrive $0xFFFF  }
0xe0: {  	_ =	shalt  }

</sc_bundles>
